<compile_context>
chip_gen: v7x
topology: tpu7x:2x2x1
jax: 0.10.2.dev20260603
libtpu: 0.0.44.dev20260713+nightly
codegen_flags: <defaults>
</compile_context>

<pallas_src>
import functools

import jax
import jax.numpy as jnp
from jax import lax
from jax.experimental import pallas as pl
from jax.experimental.pallas import tpu as pltpu
from jax.experimental.pallas import tpu_sc as plsc

E = 8
K = 2
D = 1024
H = 2048
N = 2048

T = 256
NT = 24
PAD = NT * T
NW = 16
RPW = PAD // NW
CH = 512


def _router_kernel(x_ref, wr_ref, br_ref,
                   dflat_ref, gflat_ref, te_ref, ntu_ref, loss_ref):
    x = x_ref[...]
    logits = jnp.dot(x, wr_ref[...], preferred_element_type=jnp.float32)
    logits = logits + br_ref[...][None, :]
    logits = logits - jnp.max(logits, axis=-1, keepdims=True)
    ex = jnp.exp(logits)
    scores = ex / jnp.sum(ex, axis=-1, keepdims=True)

    col = lax.broadcasted_iota(jnp.int32, scores.shape, 1)
    v1 = jnp.max(scores, axis=-1, keepdims=True)
    i1 = jnp.min(jnp.where(scores == v1, col, E), axis=-1, keepdims=True)
    m1 = col == i1
    rest = jnp.where(m1, -jnp.inf, scores)
    v2 = jnp.max(rest, axis=-1, keepdims=True)
    i2 = jnp.min(jnp.where(rest == v2, col, E), axis=-1, keepdims=True)
    m2 = col == i2
    gflat_ref[pl.ds(0, N), :] = v1
    gflat_ref[pl.ds(N, N), :] = v2

    M1 = m1.astype(jnp.float32)
    M2 = m2.astype(jnp.float32)

    imp = jnp.sum(M1 * v1 + M2 * v2, axis=0)
    imean = jnp.mean(imp)
    ivar = jnp.sum((imp - imean) ** 2) / (E - 1)
    loss_ref[...] = jnp.reshape(ivar / (imean * imean + 1e-9), (1, 1))

    counts = jnp.sum(M1, axis=0, keepdims=True) + jnp.sum(
        M2, axis=0, keepdims=True)
    ci = counts.astype(jnp.int32)
    pc = ((ci + (T - 1)) >> 8) << 8
    pcf = pc.astype(jnp.float32)
    r8 = lax.broadcasted_iota(jnp.int32, (E, E), 0)
    c8 = lax.broadcasted_iota(jnp.int32, (E, E), 1)
    lt8 = (r8 < c8).astype(jnp.float32)
    starts = jnp.dot(pcf, lt8,
                     preferred_element_type=jnp.float32)
    total = jnp.sum(pc)
    ntu_ref[...] = jnp.reshape(total >> 8, (1, 1))

    ts = (T * lax.broadcasted_iota(jnp.int32, (NT, E), 0)).astype(jnp.float32)
    sb = jnp.broadcast_to(starts, (NT, E))
    pb = jnp.broadcast_to(pcf, (NT, E))
    ind = jnp.logical_and(ts >= sb, ts < sb + pb)
    eidx = lax.broadcasted_iota(jnp.int32, (NT, E), 1)
    te = jnp.sum(jnp.where(ind, eidx + 1, 0), axis=1, keepdims=True) - 1
    te_ref[...] = jnp.where(te < 0, E - 1, te)

    rr = lax.broadcasted_iota(jnp.int32, (CH, CH), 0)
    cc = lax.broadcasted_iota(jnp.int32, (CH, CH), 1)
    ltc = (cc < rr).astype(jnp.float32)
    carry = jnp.zeros((1, E), jnp.float32)
    for c in range(2 * N // CH):
        if c < N // CH:
            Fc = M1[c * CH:(c + 1) * CH]
        else:
            Fc = M2[(c - N // CH) * CH:(c - N // CH + 1) * CH]
        Rc = jnp.dot(ltc, Fc, preferred_element_type=jnp.float32) + carry
        dest = jnp.sum((starts + Rc) * Fc, axis=1, keepdims=True)
        dest = dest.astype(jnp.int32)
        dflat_ref[pl.ds(c * CH, CH), :] = dest
        carry = carry + jnp.sum(Fc, axis=0, keepdims=True)


def _sc_dispatch_kernel(dest_hbm, gate_hbm, rt_hbm, gr_hbm,
                        dest_v, gate_v, rt_v, gr_v):
    wid = lax.axis_index("s")
    lo = wid * RPW

    for i in range(RPW // 16):
        rt_v[pl.ds(i * 16, 16)] = jnp.zeros((16,), jnp.int32)
        gr_v[pl.ds(i * 16, 16)] = jnp.zeros((16,), jnp.float32)

    pltpu.sync_copy(dest_hbm, dest_v)
    pltpu.sync_copy(gate_hbm, gate_v)

    def body(i, _):
        d = dest_v[pl.ds(i * 16, 16)]
        g = gate_v[pl.ds(i * 16, 16)]
        f = lax.iota(jnp.int32, 16) + i * 16
        tok = f & (N - 1)
        m = jnp.logical_and(d >= lo, d < lo + RPW)
        plsc.store_scatter(rt_v, [d - lo], tok, mask=m)
        plsc.store_scatter(gr_v, [d - lo], g, mask=m)
        return _

    lax.fori_loop(0, (K * N) // 16, body, None)

    pltpu.sync_copy(rt_v, rt_hbm.at[pl.ds(lo, RPW)])
    pltpu.sync_copy(gr_v, gr_hbm.at[pl.ds(lo, RPW)])


def _ffn_kernel(te_ref, ntu_ref, x_ref, w1_ref, b1_ref, w2_ref, b2_ref,
                rt_ref, gr_ref, out_ref):
    t = pl.program_id(0)

    @pl.when(t == 0)
    def _init():
        out_ref[...] = jnp.zeros_like(out_ref)

    @pl.when(t < ntu_ref[0])
    def _compute():
        tokcol = lax.broadcasted_iota(jnp.int32, (N, T), 0)
        eq = rt_ref[0] == tokcol

        pgt = eq.astype(jnp.bfloat16)
        xs = lax.dot_general(
            pgt, x_ref[...].astype(jnp.bfloat16), (((0,), (0,)), ((), ())),
            preferred_element_type=jnp.float32).astype(jnp.bfloat16)

        h = jnp.dot(xs, w1_ref[0].astype(jnp.bfloat16),
                    preferred_element_type=jnp.float32)
        h = jnp.maximum(h + b1_ref[0], 0.0).astype(jnp.bfloat16)
        o = jnp.dot(h, w2_ref[0].astype(jnp.bfloat16),
                    preferred_element_type=jnp.float32)
        o = (o + b2_ref[0]).astype(jnp.bfloat16)

        pc = jnp.where(eq, gr_ref[0], 0.0)
        out_ref[...] += jnp.dot(pc.astype(jnp.bfloat16), o,
                                preferred_element_type=jnp.float32)


@functools.cache
def _sc_dispatch():
    return pl.kernel(
        _sc_dispatch_kernel,
        mesh=plsc.VectorSubcoreMesh(core_axis_name="c", subcore_axis_name="s",
                                    num_cores=1),
        out_type=(
            jax.ShapeDtypeStruct((PAD,), jnp.int32),
            jax.ShapeDtypeStruct((PAD,), jnp.float32),
        ),
        scratch_types=[
            pltpu.VMEM((K * N,), jnp.int32),
            pltpu.VMEM((K * N,), jnp.float32),
            pltpu.VMEM((RPW,), jnp.int32),
            pltpu.VMEM((RPW,), jnp.float32),
        ],
        compiler_params=pltpu.CompilerParams(needs_layout_passes=False),
    )


@jax.jit
def kernel(x, Wr, br, W1, b1, W2, b2):
    dflat, gflat, te, ntu, loss = pl.pallas_call(
        _router_kernel,
        out_shape=(
            jax.ShapeDtypeStruct((K * N, 1), jnp.int32),
            jax.ShapeDtypeStruct((K * N, 1), jnp.float32),
            jax.ShapeDtypeStruct((NT, 1), jnp.int32),
            jax.ShapeDtypeStruct((1, 1), jnp.int32),
            jax.ShapeDtypeStruct((1, 1), jnp.float32),
        ),
    )(x, Wr, br)

    rt, gr = _sc_dispatch()(dflat.reshape(K * N), gflat.reshape(K * N))

    grid_spec = pltpu.PrefetchScalarGridSpec(
        num_scalar_prefetch=2,
        grid=(NT,),
        in_specs=[
            pl.BlockSpec((N, D), lambda t, te, ntu: (0, 0)),
            pl.BlockSpec((1, D, H), lambda t, te, ntu: (te[t], 0, 0)),
            pl.BlockSpec((1, 1, H), lambda t, te, ntu: (te[t], 0, 0)),
            pl.BlockSpec((1, H, D), lambda t, te, ntu: (te[t], 0, 0)),
            pl.BlockSpec((1, 1, D), lambda t, te, ntu: (te[t], 0, 0)),
            pl.BlockSpec((1, 1, T), lambda t, te, ntu: (t, 0, 0)),
            pl.BlockSpec((1, 1, T), lambda t, te, ntu: (t, 0, 0)),
        ],
        out_specs=pl.BlockSpec((N, D), lambda t, te, ntu: (0, 0)),
    )
    out = pl.pallas_call(
        _ffn_kernel,
        grid_spec=grid_spec,
        out_shape=jax.ShapeDtypeStruct((N, D), jnp.float32),
        compiler_params=pltpu.CompilerParams(
            fuse_transposed_lhs_in_matmul=True,
            vmem_limit_bytes=128 * 1024 * 1024),
    )(te.reshape(NT), ntu.reshape(1), x, W1, b1.reshape(E, 1, H), W2,
      b2.reshape(E, 1, D), rt.reshape(NT, 1, T), gr.reshape(NT, 1, T))

    return out, loss[0, 0]

# --- scband reference (transcript-rebuilt; emitter-appended) ---
"""Pipeline reference for scband-mo-elayer-16149077033149 (READ-ONLY COPY).

The authoritative reference and input builder live on the scoring server;
editing this copy changes nothing except your own understanding.
"""

import jax, jax.numpy as jnp
import numpy as np

E = 8
K = 2
D = 1024
H = 2048
N = 2048


def setup_inputs(seed: int = 0) -> dict:
    key = jax.random.key(seed)
    ks = jax.random.split(key, 7)
    s1 = 1.0 / np.sqrt(D)
    s2 = 1.0 / np.sqrt(H)
    return {
        "x": jax.random.normal(ks[0], (N, D), dtype=jnp.float32),
        "Wr": jax.random.uniform(ks[1], (D, E), minval=-s1, maxval=s1, dtype=jnp.float32),
        "br": jnp.zeros((E,), dtype=jnp.float32),
        "W1": jax.random.uniform(ks[2], (E, D, H), minval=-s1, maxval=s1, dtype=jnp.float32),
        "b1": jax.random.uniform(ks[3], (E, H), minval=-s1, maxval=s1, dtype=jnp.float32),
        "W2": jax.random.uniform(ks[4], (E, H, D), minval=-s2, maxval=s2, dtype=jnp.float32),
        "b2": jax.random.uniform(ks[5], (E, D), minval=-s2, maxval=s2, dtype=jnp.float32),
    }


def reference(x, Wr, br, W1, b1, W2, b2):
    # router (eval mode: no gate noise)
    logits = x @ Wr + br
    scores = jax.nn.softmax(logits, axis=-1)
    topk_vals, topk_inds = jax.lax.top_k(scores, K)
    n = x.shape[0]
    # dispatch_mask.scatter_(1, topk_inds, topk_vals)
    dispatch_mask = jnp.zeros_like(scores).at[jnp.arange(n)[:, None], topk_inds].set(topk_vals)
    # dense expert computation: every expert applied to every token
    h = jax.nn.relu(jnp.einsum('nd,edh->neh', x, W1) + b1[None, :, :])
    expert_outputs = jnp.einsum('neh,ehd->ned', h, W2) + b2[None, :, :]
    output = (expert_outputs * dispatch_mask[:, :, None]).sum(axis=1)
    # load balancing loss
    importance = dispatch_mask.sum(axis=0)
    importance_mean = jnp.mean(importance)
    importance_var = jnp.var(importance, ddof=1)  # torch.var is unbiased by default
    load_balancing_loss = importance_var / (importance_mean ** 2 + 1e-09)
    return (output, load_balancing_loss)

if __name__ == "__main__":
    import jax
    _d = setup_inputs()
    print(jax.jit(kernel)(*tuple(_d.values())))

</pallas_src>

<mosaic_0001>
#map = affine_map<(d0, d1) -> (0)>
module attributes {stable_mosaic.version = 14 : i64} {
  func.func @_sc_dispatch_kernel(%arg0: i32, %arg1: i32, %arg2: memref<4096xi32, #tpu.memory_space<hbm>>, %arg3: memref<4096xf32, #tpu.memory_space<hbm>>, %arg4: memref<6144xi32, #tpu.memory_space<hbm>>, %arg5: memref<6144xf32, #tpu.memory_space<hbm>>, %arg6: memref<4096xi32, #tpu.memory_space<vmem>>, %arg7: memref<4096xf32, #tpu.memory_space<vmem>>, %arg8: memref<384xi32, #tpu.memory_space<vmem>>, %arg9: memref<384xf32, #tpu.memory_space<vmem>>) attributes {dimension_semantics = [#tpu.dimension_semantics<core_parallel>, #tpu.dimension_semantics<subcore_parallel>], iteration_bounds = array<i64: 1, 16>, scalar_prefetch = 0 : i64, scratch_operands = 4 : i64, tpu.core_type = #tpu.core_type<sc_vector_subcore>, window_params = [{transform_indices = #map}, {transform_indices = #map}, {transform_indices = #map}, {transform_indices = #map}]} {
    %mul3A = arith.constant 384 : i32
    %mul3A_0 = arith.muli %arg1, %mul3A : i32
    %broadcast_in_dim3A = arith.constant 0 : i32
    %broadcast_in_dim3A_1 = vector.broadcast %broadcast_in_dim3A : i32 to vector<16xi32>
    %swap3A = arith.constant 0 : index
    %swap3A_2 = tpu.vector_load %arg8[%swap3A] {strides = array<i32>} : memref<384xi32, #tpu.memory_space<vmem>>, vector<16xi32>,
    tpu.vector_store %arg8[%swap3A], %broadcast_in_dim3A_1 {strides = array<i32>} : memref<384xi32, #tpu.memory_space<vmem>>, vector<16xi32>,
    %broadcast_in_dim3A_3 = arith.constant 0.000000e+00 : f32
    %broadcast_in_dim3A_4 = vector.broadcast %broadcast_in_dim3A_3 : f32 to vector<16xf32>
    %swap3A_5 = arith.constant 0 : index
    %swap3A_6 = tpu.vector_load %arg9[%swap3A_5] {strides = array<i32>} : memref<384xf32, #tpu.memory_space<vmem>>, vector<16xf32>,
    tpu.vector_store %arg9[%swap3A_5], %broadcast_in_dim3A_4 {strides = array<i32>} : memref<384xf32, #tpu.memory_space<vmem>>, vector<16xf32>,
    %broadcast_in_dim3A_7 = arith.constant 0 : i32
    %broadcast_in_dim3A_8 = vector.broadcast %broadcast_in_dim3A_7 : i32 to vector<16xi32>
    %swap3A_9 = arith.constant 16 : index
    %swap3A_10 = tpu.vector_load %arg8[%swap3A_9] {strides = array<i32>} : memref<384xi32, #tpu.memory_space<vmem>>, vector<16xi32>,
    tpu.vector_store %arg8[%swap3A_9], %broadcast_in_dim3A_8 {strides = array<i32>} : memref<384xi32, #tpu.memory_space<vmem>>, vector<16xi32>,
    %broadcast_in_dim3A_11 = arith.constant 0.000000e+00 : f32
    %broadcast_in_dim3A_12 = vector.broadcast %broadcast_in_dim3A_11 : f32 to vector<16xf32>
    %swap3A_13 = arith.constant 16 : index
    %swap3A_14 = tpu.vector_load %arg9[%swap3A_13] {strides = array<i32>} : memref<384xf32, #tpu.memory_space<vmem>>, vector<16xf32>,
    tpu.vector_store %arg9[%swap3A_13], %broadcast_in_dim3A_12 {strides = array<i32>} : memref<384xf32, #tpu.memory_space<vmem>>, vector<16xf32>,
    %broadcast_in_dim3A_15 = arith.constant 0 : i32
    %broadcast_in_dim3A_16 = vector.broadcast %broadcast_in_dim3A_15 : i32 to vector<16xi32>
    %swap3A_17 = arith.constant 32 : index
    %swap3A_18 = tpu.vector_load %arg8[%swap3A_17] {strides = array<i32>} : memref<384xi32, #tpu.memory_space<vmem>>, vector<16xi32>,
    tpu.vector_store %arg8[%swap3A_17], %broadcast_in_dim3A_16 {strides = array<i32>} : memref<384xi32, #tpu.memory_space<vmem>>, vector<16xi32>,
    %broadcast_in_dim3A_19 = arith.constant 0.000000e+00 : f32
    %broadcast_in_dim3A_20 = vector.broadcast %broadcast_in_dim3A_19 : f32 to vector<16xf32>
    %swap3A_21 = arith.constant 32 : index
    %swap3A_22 = tpu.vector_load %arg9[%swap3A_21] {strides = array<i32>} : memref<384xf32, #tpu.memory_space<vmem>>, vector<16xf32>,
    tpu.vector_store %arg9[%swap3A_21], %broadcast_in_dim3A_20 {strides = array<i32>} : memref<384xf32, #tpu.memory_space<vmem>>, vector<16xf32>,
    %broadcast_in_dim3A_23 = arith.constant 0 : i32
    %broadcast_in_dim3A_24 = vector.broadcast %broadcast_in_dim3A_23 : i32 to vector<16xi32>
    %swap3A_25 = arith.constant 48 : index
    %swap3A_26 = tpu.vector_load %arg8[%swap3A_25] {strides = array<i32>} : memref<384xi32, #tpu.memory_space<vmem>>, vector<16xi32>,
    tpu.vector_store %arg8[%swap3A_25], %broadcast_in_dim3A_24 {strides = array<i32>} : memref<384xi32, #tpu.memory_space<vmem>>, vector<16xi32>,
    %broadcast_in_dim3A_27 = arith.constant 0.000000e+00 : f32
    %broadcast_in_dim3A_28 = vector.broadcast %broadcast_in_dim3A_27 : f32 to vector<16xf32>
    %swap3A_29 = arith.constant 48 : index
    %swap3A_30 = tpu.vector_load %arg9[%swap3A_29] {strides = array<i32>} : memref<384xf32, #tpu.memory_space<vmem>>, vector<16xf32>,
    tpu.vector_store %arg9[%swap3A_29], %broadcast_in_dim3A_28 {strides = array<i32>} : memref<384xf32, #tpu.memory_space<vmem>>, vector<16xf32>,
    %broadcast_in_dim3A_31 = arith.constant 0 : i32
    %broadcast_in_dim3A_32 = vector.broadcast %broadcast_in_dim3A_31 : i32 to vector<16xi32>
    %swap3A_33 = arith.constant 64 : index
    %swap3A_34 = tpu.vector_load %arg8[%swap3A_33] {strides = array<i32>} : memref<384xi32, #tpu.memory_space<vmem>>, vector<16xi32>,
    tpu.vector_store %arg8[%swap3A_33], %broadcast_in_dim3A_32 {strides = array<i32>} : memref<384xi32, #tpu.memory_space<vmem>>, vector<16xi32>,
    %broadcast_in_dim3A_35 = arith.constant 0.000000e+00 : f32
    %broadcast_in_dim3A_36 = vector.broadcast %broadcast_in_dim3A_35 : f32 to vector<16xf32>
    %swap3A_37 = arith.constant 64 : index
    %swap3A_38 = tpu.vector_load %arg9[%swap3A_37] {strides = array<i32>} : memref<384xf32, #tpu.memory_space<vmem>>, vector<16xf32>,
    tpu.vector_store %arg9[%swap3A_37], %broadcast_in_dim3A_36 {strides = array<i32>} : memref<384xf32, #tpu.memory_space<vmem>>, vector<16xf32>,
    %broadcast_in_dim3A_39 = arith.constant 0 : i32
    %broadcast_in_dim3A_40 = vector.broadcast %broadcast_in_dim3A_39 : i32 to vector<16xi32>
    %swap3A_41 = arith.constant 80 : index
    %swap3A_42 = tpu.vector_load %arg8[%swap3A_41] {strides = array<i32>} : memref<384xi32, #tpu.memory_space<vmem>>, vector<16xi32>,
    tpu.vector_store %arg8[%swap3A_41], %broadcast_in_dim3A_40 {strides = array<i32>} : memref<384xi32, #tpu.memory_space<vmem>>, vector<16xi32>,
    %broadcast_in_dim3A_43 = arith.constant 0.000000e+00 : f32
    %broadcast_in_dim3A_44 = vector.broadcast %broadcast_in_dim3A_43 : f32 to vector<16xf32>
    %swap3A_45 = arith.constant 80 : index
    %swap3A_46 = tpu.vector_load %arg9[%swap3A_45] {strides = array<i32>} : memref<384xf32, #tpu.memory_space<vmem>>, vector<16xf32>,
    tpu.vector_store %arg9[%swap3A_45], %broadcast_in_dim3A_44 {strides = array<i32>} : memref<384xf32, #tpu.memory_space<vmem>>, vector<16xf32>,
    %broadcast_in_dim3A_47 = arith.constant 0 : i32
    %broadcast_in_dim3A_48 = vector.broadcast %broadcast_in_dim3A_47 : i32 to vector<16xi32>
    %swap3A_49 = arith.constant 96 : index
    %swap3A_50 = tpu.vector_load %arg8[%swap3A_49] {strides = array<i32>} : memref<384xi32, #tpu.memory_space<vmem>>, vector<16xi32>,
    tpu.vector_store %arg8[%swap3A_49], %broadcast_in_dim3A_48 {strides = array<i32>} : memref<384xi32, #tpu.memory_space<vmem>>, vector<16xi32>,
    %broadcast_in_dim3A_51 = arith.constant 0.000000e+00 : f32
    %broadcast_in_dim3A_52 = vector.broadcast %broadcast_in_dim3A_51 : f32 to vector<16xf32>
    %swap3A_53 = arith.constant 96 : index
    %swap3A_54 = tpu.vector_load %arg9[%swap3A_53] {strides = array<i32>} : memref<384xf32, #tpu.memory_space<vmem>>, vector<16xf32>,
    tpu.vector_store %arg9[%swap3A_53], %broadcast_in_dim3A_52 {strides = array<i32>} : memref<384xf32, #tpu.memory_space<vmem>>, vector<16xf32>,
    %broadcast_in_dim3A_55 = arith.constant 0 : i32
    %broadcast_in_dim3A_56 = vector.broadcast %broadcast_in_dim3A_55 : i32 to vector<16xi32>
    %swap3A_57 = arith.constant 112 : index
    %swap3A_58 = tpu.vector_load %arg8[%swap3A_57] {strides = array<i32>} : memref<384xi32, #tpu.memory_space<vmem>>, vector<16xi32>,
    tpu.vector_store %arg8[%swap3A_57], %broadcast_in_dim3A_56 {strides = array<i32>} : memref<384xi32, #tpu.memory_space<vmem>>, vector<16xi32>,
    %broadcast_in_dim3A_59 = arith.constant 0.000000e+00 : f32
    %broadcast_in_dim3A_60 = vector.broadcast %broadcast_in_dim3A_59 : f32 to vector<16xf32>
    %swap3A_61 = arith.constant 112 : index
    %swap3A_62 = tpu.vector_load %arg9[%swap3A_61] {strides = array<i32>} : memref<384xf32, #tpu.memory_space<vmem>>, vector<16xf32>,
    tpu.vector_store %arg9[%swap3A_61], %broadcast_in_dim3A_60 {strides = array<i32>} : memref<384xf32, #tpu.memory_space<vmem>>, vector<16xf32>,
    %broadcast_in_dim3A_63 = arith.constant 0 : i32
    %broadcast_in_dim3A_64 = vector.broadcast %broadcast_in_dim3A_63 : i32 to vector<16xi32>
    %swap3A_65 = arith.constant 128 : index
    %swap3A_66 = tpu.vector_load %arg8[%swap3A_65] {strides = array<i32>} : memref<384xi32, #tpu.memory_space<vmem>>, vector<16xi32>,
    tpu.vector_store %arg8[%swap3A_65], %broadcast_in_dim3A_64 {strides = array<i32>} : memref<384xi32, #tpu.memory_space<vmem>>, vector<16xi32>,
    %broadcast_in_dim3A_67 = arith.constant 0.000000e+00 : f32
    %broadcast_in_dim3A_68 = vector.broadcast %broadcast_in_dim3A_67 : f32 to vector<16xf32>
    %swap3A_69 = arith.constant 128 : index
    %swap3A_70 = tpu.vector_load %arg9[%swap3A_69] {strides = array<i32>} : memref<384xf32, #tpu.memory_space<vmem>>, vector<16xf32>,
    tpu.vector_store %arg9[%swap3A_69], %broadcast_in_dim3A_68 {strides = array<i32>} : memref<384xf32, #tpu.memory_space<vmem>>, vector<16xf32>,
    %broadcast_in_dim3A_71 = arith.constant 0 : i32
    %broadcast_in_dim3A_72 = vector.broadcast %broadcast_in_dim3A_71 : i32 to vector<16xi32>
    %swap3A_73 = arith.constant 144 : index
    %swap3A_74 = tpu.vector_load %arg8[%swap3A_73] {strides = array<i32>} : memref<384xi32, #tpu.memory_space<vmem>>, vector<16xi32>,
    tpu.vector_store %arg8[%swap3A_73], %broadcast_in_dim3A_72 {strides = array<i32>} : memref<384xi32, #tpu.memory_space<vmem>>, vector<16xi32>,
    %broadcast_in_dim3A_75 = arith.constant 0.000000e+00 : f32
    %broadcast_in_dim3A_76 = vector.broadcast %broadcast_in_dim3A_75 : f32 to vector<16xf32>
    %swap3A_77 = arith.constant 144 : index
    %swap3A_78 = tpu.vector_load %arg9[%swap3A_77] {strides = array<i32>} : memref<384xf32, #tpu.memory_space<vmem>>, vector<16xf32>,
    tpu.vector_store %arg9[%swap3A_77], %broadcast_in_dim3A_76 {strides = array<i32>} : memref<384xf32, #tpu.memory_space<vmem>>, vector<16xf32>,
    %broadcast_in_dim3A_79 = arith.constant 0 : i32
    %broadcast_in_dim3A_80 = vector.broadcast %broadcast_in_dim3A_79 : i32 to vector<16xi32>
    %swap3A_81 = arith.constant 160 : index
    %swap3A_82 = tpu.vector_load %arg8[%swap3A_81] {strides = array<i32>} : memref<384xi32, #tpu.memory_space<vmem>>, vector<16xi32>,
    tpu.vector_store %arg8[%swap3A_81], %broadcast_in_dim3A_80 {strides = array<i32>} : memref<384xi32, #tpu.memory_space<vmem>>, vector<16xi32>,
    %broadcast_in_dim3A_83 = arith.constant 0.000000e+00 : f32
    %broadcast_in_dim3A_84 = vector.broadcast %broadcast_in_dim3A_83 : f32 to vector<16xf32>
    %swap3A_85 = arith.constant 160 : index
    %swap3A_86 = tpu.vector_load %arg9[%swap3A_85] {strides = array<i32>} : memref<384xf32, #tpu.memory_space<vmem>>, vector<16xf32>,
    tpu.vector_store %arg9[%swap3A_85], %broadcast_in_dim3A_84 {strides = array<i32>} : memref<384xf32, #tpu.memory_space<vmem>>, vector<16xf32>,
    %broadcast_in_dim3A_87 = arith.constant 0 : i32
    %broadcast_in_dim3A_88 = vector.broadcast %broadcast_in_dim3A_87 : i32 to vector<16xi32>
    %swap3A_89 = arith.constant 176 : index
    %swap3A_90 = tpu.vector_load %arg8[%swap3A_89] {strides = array<i32>} : memref<384xi32, #tpu.memory_space<vmem>>, vector<16xi32>,
    tpu.vector_store %arg8[%swap3A_89], %broadcast_in_dim3A_88 {strides = array<i32>} : memref<384xi32, #tpu.memory_space<vmem>>, vector<16xi32>,
    %broadcast_in_dim3A_91 = arith.constant 0.000000e+00 : f32
    %broadcast_in_dim3A_92 = vector.broadcast %broadcast_in_dim3A_91 : f32 to vector<16xf32>
    %swap3A_93 = arith.constant 176 : index
    %swap3A_94 = tpu.vector_load %arg9[%swap3A_93] {strides = array<i32>} : memref<384xf32, #tpu.memory_space<vmem>>, vector<16xf32>,
    tpu.vector_store %arg9[%swap3A_93], %broadcast_in_dim3A_92 {strides = array<i32>} : memref<384xf32, #tpu.memory_space<vmem>>, vector<16xf32>,
    %broadcast_in_dim3A_95 = arith.constant 0 : i32
    %broadcast_in_dim3A_96 = vector.broadcast %broadcast_in_dim3A_95 : i32 to vector<16xi32>
    %swap3A_97 = arith.constant 192 : index
    %swap3A_98 = tpu.vector_load %arg8[%swap3A_97] {strides = array<i32>} : memref<384xi32, #tpu.memory_space<vmem>>, vector<16xi32>,
    tpu.vector_store %arg8[%swap3A_97], %broadcast_in_dim3A_96 {strides = array<i32>} : memref<384xi32, #tpu.memory_space<vmem>>, vector<16xi32>,
    %broadcast_in_dim3A_99 = arith.constant 0.000000e+00 : f32
    %broadcast_in_dim3A_100 = vector.broadcast %broadcast_in_dim3A_99 : f32 to vector<16xf32>
    %swap3A_101 = arith.constant 192 : index
    %swap3A_102 = tpu.vector_load %arg9[%swap3A_101] {strides = array<i32>} : memref<384xf32, #tpu.memory_space<vmem>>, vector<16xf32>,
    tpu.vector_store %arg9[%swap3A_101], %broadcast_in_dim3A_100 {strides = array<i32>} : memref<384xf32, #tpu.memory_space<vmem>>, vector<16xf32>,
    %broadcast_in_dim3A_103 = arith.constant 0 : i32
    %broadcast_in_dim3A_104 = vector.broadcast %broadcast_in_dim3A_103 : i32 to vector<16xi32>
    %swap3A_105 = arith.constant 208 : index
    %swap3A_106 = tpu.vector_load %arg8[%swap3A_105] {strides = array<i32>} : memref<384xi32, #tpu.memory_space<vmem>>, vector<16xi32>,
    tpu.vector_store %arg8[%swap3A_105], %broadcast_in_dim3A_104 {strides = array<i32>} : memref<384xi32, #tpu.memory_space<vmem>>, vector<16xi32>,
    %broadcast_in_dim3A_107 = arith.constant 0.000000e+00 : f32
    %broadcast_in_dim3A_108 = vector.broadcast %broadcast_in_dim3A_107 : f32 to vector<16xf32>
    %swap3A_109 = arith.constant 208 : index
    %swap3A_110 = tpu.vector_load %arg9[%swap3A_109] {strides = array<i32>} : memref<384xf32, #tpu.memory_space<vmem>>, vector<16xf32>,
    tpu.vector_store %arg9[%swap3A_109], %broadcast_in_dim3A_108 {strides = array<i32>} : memref<384xf32, #tpu.memory_space<vmem>>, vector<16xf32>,
    %broadcast_in_dim3A_111 = arith.constant 0 : i32
    %broadcast_in_dim3A_112 = vector.broadcast %broadcast_in_dim3A_111 : i32 to vector<16xi32>
    %swap3A_113 = arith.constant 224 : index
    %swap3A_114 = tpu.vector_load %arg8[%swap3A_113] {strides = array<i32>} : memref<384xi32, #tpu.memory_space<vmem>>, vector<16xi32>,
    tpu.vector_store %arg8[%swap3A_113], %broadcast_in_dim3A_112 {strides = array<i32>} : memref<384xi32, #tpu.memory_space<vmem>>, vector<16xi32>,
    %broadcast_in_dim3A_115 = arith.constant 0.000000e+00 : f32
    %broadcast_in_dim3A_116 = vector.broadcast %broadcast_in_dim3A_115 : f32 to vector<16xf32>
    %swap3A_117 = arith.constant 224 : index
    %swap3A_118 = tpu.vector_load %arg9[%swap3A_117] {strides = array<i32>} : memref<384xf32, #tpu.memory_space<vmem>>, vector<16xf32>,
    tpu.vector_store %arg9[%swap3A_117], %broadcast_in_dim3A_116 {strides = array<i32>} : memref<384xf32, #tpu.memory_space<vmem>>, vector<16xf32>,
    %broadcast_in_dim3A_119 = arith.constant 0 : i32
    %broadcast_in_dim3A_120 = vector.broadcast %broadcast_in_dim3A_119 : i32 to vector<16xi32>
    %swap3A_121 = arith.constant 240 : index
    %swap3A_122 = tpu.vector_load %arg8[%swap3A_121] {strides = array<i32>} : memref<384xi32, #tpu.memory_space<vmem>>, vector<16xi32>,
    tpu.vector_store %arg8[%swap3A_121], %broadcast_in_dim3A_120 {strides = array<i32>} : memref<384xi32, #tpu.memory_space<vmem>>, vector<16xi32>,
    %broadcast_in_dim3A_123 = arith.constant 0.000000e+00 : f32
    %broadcast_in_dim3A_124 = vector.broadcast %broadcast_in_dim3A_123 : f32 to vector<16xf32>
    %swap3A_125 = arith.constant 240 : index
    %swap3A_126 = tpu.vector_load %arg9[%swap3A_125] {strides = array<i32>} : memref<384xf32, #tpu.memory_space<vmem>>, vector<16xf32>,
    tpu.vector_store %arg9[%swap3A_125], %broadcast_in_dim3A_124 {strides = array<i32>} : memref<384xf32, #tpu.memory_space<vmem>>, vector<16xf32>,
    %broadcast_in_dim3A_127 = arith.constant 0 : i32
    %broadcast_in_dim3A_128 = vector.broadcast %broadcast_in_dim3A_127 : i32 to vector<16xi32>
    %swap3A_129 = arith.constant 256 : index
    %swap3A_130 = tpu.vector_load %arg8[%swap3A_129] {strides = array<i32>} : memref<384xi32, #tpu.memory_space<vmem>>, vector<16xi32>,
    tpu.vector_store %arg8[%swap3A_129], %broadcast_in_dim3A_128 {strides = array<i32>} : memref<384xi32, #tpu.memory_space<vmem>>, vector<16xi32>,
    %broadcast_in_dim3A_131 = arith.constant 0.000000e+00 : f32
    %broadcast_in_dim3A_132 = vector.broadcast %broadcast_in_dim3A_131 : f32 to vector<16xf32>
    %swap3A_133 = arith.constant 256 : index
    %swap3A_134 = tpu.vector_load %arg9[%swap3A_133] {strides = array<i32>} : memref<384xf32, #tpu.memory_space<vmem>>, vector<16xf32>,
    tpu.vector_store %arg9[%swap3A_133], %broadcast_in_dim3A_132 {strides = array<i32>} : memref<384xf32, #tpu.memory_space<vmem>>, vector<16xf32>,
    %broadcast_in_dim3A_135 = arith.constant 0 : i32
    %broadcast_in_dim3A_136 = vector.broadcast %broadcast_in_dim3A_135 : i32 to vector<16xi32>
    %swap3A_137 = arith.constant 272 : index
    %swap3A_138 = tpu.vector_load %arg8[%swap3A_137] {strides = array<i32>} : memref<384xi32, #tpu.memory_space<vmem>>, vector<16xi32>,
    tpu.vector_store %arg8[%swap3A_137], %broadcast_in_dim3A_136 {strides = array<i32>} : memref<384xi32, #tpu.memory_space<vmem>>, vector<16xi32>,
    %broadcast_in_dim3A_139 = arith.constant 0.000000e+00 : f32
    %broadcast_in_dim3A_140 = vector.broadcast %broadcast_in_dim3A_139 : f32 to vector<16xf32>
    %swap3A_141 = arith.constant 272 : index
    %swap3A_142 = tpu.vector_load %arg9[%swap3A_141] {strides = array<i32>} : memref<384xf32, #tpu.memory_space<vmem>>, vector<16xf32>,
    tpu.vector_store %arg9[%swap3A_141], %broadcast_in_dim3A_140 {strides = array<i32>} : memref<384xf32, #tpu.memory_space<vmem>>, vector<16xf32>,
    %broadcast_in_dim3A_143 = arith.constant 0 : i32
    %broadcast_in_dim3A_144 = vector.broadcast %broadcast_in_dim3A_143 : i32 to vector<16xi32>
    %swap3A_145 = arith.constant 288 : index
    %swap3A_146 = tpu.vector_load %arg8[%swap3A_145] {strides = array<i32>} : memref<384xi32, #tpu.memory_space<vmem>>, vector<16xi32>,
    tpu.vector_store %arg8[%swap3A_145], %broadcast_in_dim3A_144 {strides = array<i32>} : memref<384xi32, #tpu.memory_space<vmem>>, vector<16xi32>,
    %broadcast_in_dim3A_147 = arith.constant 0.000000e+00 : f32
    %broadcast_in_dim3A_148 = vector.broadcast %broadcast_in_dim3A_147 : f32 to vector<16xf32>
    %swap3A_149 = arith.constant 288 : index
    %swap3A_150 = tpu.vector_load %arg9[%swap3A_149] {strides = array<i32>} : memref<384xf32, #tpu.memory_space<vmem>>, vector<16xf32>,
    tpu.vector_store %arg9[%swap3A_149], %broadcast_in_dim3A_148 {strides = array<i32>} : memref<384xf32, #tpu.memory_space<vmem>>, vector<16xf32>,
    %broadcast_in_dim3A_151 = arith.constant 0 : i32
    %broadcast_in_dim3A_152 = vector.broadcast %broadcast_in_dim3A_151 : i32 to vector<16xi32>
    %swap3A_153 = arith.constant 304 : index
    %swap3A_154 = tpu.vector_load %arg8[%swap3A_153] {strides = array<i32>} : memref<384xi32, #tpu.memory_space<vmem>>, vector<16xi32>,
    tpu.vector_store %arg8[%swap3A_153], %broadcast_in_dim3A_152 {strides = array<i32>} : memref<384xi32, #tpu.memory_space<vmem>>, vector<16xi32>,
    %broadcast_in_dim3A_155 = arith.constant 0.000000e+00 : f32
    %broadcast_in_dim3A_156 = vector.broadcast %broadcast_in_dim3A_155 : f32 to vector<16xf32>
    %swap3A_157 = arith.constant 304 : index
    %swap3A_158 = tpu.vector_load %arg9[%swap3A_157] {strides = array<i32>} : memref<384xf32, #tpu.memory_space<vmem>>, vector<16xf32>,
    tpu.vector_store %arg9[%swap3A_157], %broadcast_in_dim3A_156 {strides = array<i32>} : memref<384xf32, #tpu.memory_space<vmem>>, vector<16xf32>,
    %broadcast_in_dim3A_159 = arith.constant 0 : i32
    %broadcast_in_dim3A_160 = vector.broadcast %broadcast_in_dim3A_159 : i32 to vector<16xi32>
    %swap3A_161 = arith.constant 320 : index
    %swap3A_162 = tpu.vector_load %arg8[%swap3A_161] {strides = array<i32>} : memref<384xi32, #tpu.memory_space<vmem>>, vector<16xi32>,
    tpu.vector_store %arg8[%swap3A_161], %broadcast_in_dim3A_160 {strides = array<i32>} : memref<384xi32, #tpu.memory_space<vmem>>, vector<16xi32>,
    %broadcast_in_dim3A_163 = arith.constant 0.000000e+00 : f32
    %broadcast_in_dim3A_164 = vector.broadcast %broadcast_in_dim3A_163 : f32 to vector<16xf32>
    %swap3A_165 = arith.constant 320 : index
    %swap3A_166 = tpu.vector_load %arg9[%swap3A_165] {strides = array<i32>} : memref<384xf32, #tpu.memory_space<vmem>>, vector<16xf32>,
    tpu.vector_store %arg9[%swap3A_165], %broadcast_in_dim3A_164 {strides = array<i32>} : memref<384xf32, #tpu.memory_space<vmem>>, vector<16xf32>,
    %broadcast_in_dim3A_167 = arith.constant 0 : i32
    %broadcast_in_dim3A_168 = vector.broadcast %broadcast_in_dim3A_167 : i32 to vector<16xi32>
    %swap3A_169 = arith.constant 336 : index
    %swap3A_170 = tpu.vector_load %arg8[%swap3A_169] {strides = array<i32>} : memref<384xi32, #tpu.memory_space<vmem>>, vector<16xi32>,
    tpu.vector_store %arg8[%swap3A_169], %broadcast_in_dim3A_168 {strides = array<i32>} : memref<384xi32, #tpu.memory_space<vmem>>, vector<16xi32>,
    %broadcast_in_dim3A_171 = arith.constant 0.000000e+00 : f32
    %broadcast_in_dim3A_172 = vector.broadcast %broadcast_in_dim3A_171 : f32 to vector<16xf32>
    %swap3A_173 = arith.constant 336 : index
    %swap3A_174 = tpu.vector_load %arg9[%swap3A_173] {strides = array<i32>} : memref<384xf32, #tpu.memory_space<vmem>>, vector<16xf32>,
    tpu.vector_store %arg9[%swap3A_173], %broadcast_in_dim3A_172 {strides = array<i32>} : memref<384xf32, #tpu.memory_space<vmem>>, vector<16xf32>,
    %broadcast_in_dim3A_175 = arith.constant 0 : i32
    %broadcast_in_dim3A_176 = vector.broadcast %broadcast_in_dim3A_175 : i32 to vector<16xi32>
    %swap3A_177 = arith.constant 352 : index
    %swap3A_178 = tpu.vector_load %arg8[%swap3A_177] {strides = array<i32>} : memref<384xi32, #tpu.memory_space<vmem>>, vector<16xi32>,
    tpu.vector_store %arg8[%swap3A_177], %broadcast_in_dim3A_176 {strides = array<i32>} : memref<384xi32, #tpu.memory_space<vmem>>, vector<16xi32>,
    %broadcast_in_dim3A_179 = arith.constant 0.000000e+00 : f32
    %broadcast_in_dim3A_180 = vector.broadcast %broadcast_in_dim3A_179 : f32 to vector<16xf32>
    %swap3A_181 = arith.constant 352 : index
    %swap3A_182 = tpu.vector_load %arg9[%swap3A_181] {strides = array<i32>} : memref<384xf32, #tpu.memory_space<vmem>>, vector<16xf32>,
    tpu.vector_store %arg9[%swap3A_181], %broadcast_in_dim3A_180 {strides = array<i32>} : memref<384xf32, #tpu.memory_space<vmem>>, vector<16xf32>,
    %broadcast_in_dim3A_183 = arith.constant 0 : i32
    %broadcast_in_dim3A_184 = vector.broadcast %broadcast_in_dim3A_183 : i32 to vector<16xi32>
    %swap3A_185 = arith.constant 368 : index
    %swap3A_186 = tpu.vector_load %arg8[%swap3A_185] {strides = array<i32>} : memref<384xi32, #tpu.memory_space<vmem>>, vector<16xi32>,
    tpu.vector_store %arg8[%swap3A_185], %broadcast_in_dim3A_184 {strides = array<i32>} : memref<384xi32, #tpu.memory_space<vmem>>, vector<16xi32>,
    %broadcast_in_dim3A_187 = arith.constant 0.000000e+00 : f32
    %broadcast_in_dim3A_188 = vector.broadcast %broadcast_in_dim3A_187 : f32 to vector<16xf32>
    %swap3A_189 = arith.constant 368 : index
    %swap3A_190 = tpu.vector_load %arg9[%swap3A_189] {strides = array<i32>} : memref<384xf32, #tpu.memory_space<vmem>>, vector<16xf32>,
    tpu.vector_store %arg9[%swap3A_189], %broadcast_in_dim3A_188 {strides = array<i32>} : memref<384xf32, #tpu.memory_space<vmem>>, vector<16xf32>,
    "tpu.region"() ({
      %run_scoped3A = tpu.sem_alloc : memref<!tpu.dma_semaphore, #tpu.memory_space<semaphore_mem>>
      tpu.enqueue_dma source(%arg2 : memref<4096xi32, #tpu.memory_space<hbm>>) target(%arg6 : memref<4096xi32, #tpu.memory_space<vmem>>) target_semaphore(%run_scoped3A : memref<!tpu.dma_semaphore, #tpu.memory_space<semaphore_mem>>)
      tpu.wait_dma2 semaphore(%run_scoped3A : memref<!tpu.dma_semaphore, #tpu.memory_space<semaphore_mem>>) src(%arg2 : memref<4096xi32, #tpu.memory_space<hbm>>) dst(%arg6 : memref<4096xi32, #tpu.memory_space<vmem>>)
      tpu.yield
    }) : () -> ()
    "tpu.region"() ({
      %run_scoped3A = tpu.sem_alloc : memref<!tpu.dma_semaphore, #tpu.memory_space<semaphore_mem>>
      tpu.enqueue_dma source(%arg3 : memref<4096xf32, #tpu.memory_space<hbm>>) target(%arg7 : memref<4096xf32, #tpu.memory_space<vmem>>) target_semaphore(%run_scoped3A : memref<!tpu.dma_semaphore, #tpu.memory_space<semaphore_mem>>)
      tpu.wait_dma2 semaphore(%run_scoped3A : memref<!tpu.dma_semaphore, #tpu.memory_space<semaphore_mem>>) src(%arg3 : memref<4096xf32, #tpu.memory_space<hbm>>) dst(%arg7 : memref<4096xf32, #tpu.memory_space<vmem>>)
      tpu.yield
    }) : () -> ()
    %scan3A = arith.constant 0 : i32
    %scan3A_191 = arith.constant 256 : i32
    %scan3A_192 = arith.addi %scan3A, %scan3A_191 : i32
    %scan3A_193 = arith.constant 1 : i32
    scf.for %scan3A_195 = %scan3A to %scan3A_192 step %scan3A_193  : i32 {
      %mul3A_196 = arith.constant 16 : i32
      %mul3A_197 = arith.muli %scan3A_195, %mul3A_196 : i32
      %get3A = arith.index_cast %mul3A_197 : i32 to index
      %get3A_198 = tpu.vector_load %arg6[%get3A] {strides = array<i32>} : memref<4096xi32, #tpu.memory_space<vmem>>, vector<16xi32>,
      %mul3A_199 = arith.constant 16 : i32
      %mul3A_200 = arith.muli %scan3A_195, %mul3A_199 : i32
      %get3A_201 = arith.index_cast %mul3A_200 : i32 to index
      %get3A_202 = tpu.vector_load %arg7[%get3A_201] {strides = array<i32>} : memref<4096xf32, #tpu.memory_space<vmem>>, vector<16xf32>,
      %iota3A = tpu.iota {dimensions = array<i32: 0>} : vector<16xi32>
      %mul3A_203 = arith.constant 16 : i32
      %mul3A_204 = arith.muli %scan3A_195, %mul3A_203 : i32
      %add3A = vector.broadcast %mul3A_204 : i32 to vector<16xi32>
      %add3A_205 = arith.addi %iota3A, %add3A : vector<16xi32>
      %and3A = arith.constant 2047 : i32
      %and3A_206 = vector.broadcast %and3A : i32 to vector<16xi32>
      %and3A_207 = arith.andi %add3A_205, %and3A_206 : vector<16xi32>
      %ge3A = vector.broadcast %mul3A_0 : i32 to vector<16xi32>
      %ge3A_208 = arith.cmpi sge, %get3A_198, %ge3A : vector<16xi32>
      %add3A_209 = arith.constant 384 : i32
      %add3A_210 = arith.addi %mul3A_0, %add3A_209 : i32
      %lt3A = vector.broadcast %add3A_210 : i32 to vector<16xi32>
      %lt3A_211 = arith.cmpi slt, %get3A_198, %lt3A : vector<16xi32>
      %and3A_212 = arith.andi %ge3A_208, %lt3A_211 : vector<16xi1>
      %sub3A = vector.broadcast %mul3A_0 : i32 to vector<16xi32>
      %sub3A_213 = arith.subi %get3A_198, %sub3A : vector<16xi32>
      tpu.vector_store_idx %arg8[%sub3A_213], %and3A_207 masked %and3A_212 : memref<384xi32, #tpu.memory_space<vmem>>[vector<16xi32>], vector<16xi32>, vector<16xi1>
      %sub3A_214 = vector.broadcast %mul3A_0 : i32 to vector<16xi32>
      %sub3A_215 = arith.subi %get3A_198, %sub3A_214 : vector<16xi32>
      tpu.vector_store_idx %arg9[%sub3A_215], %get3A_202 masked %and3A_212 : memref<384xf32, #tpu.memory_space<vmem>>[vector<16xi32>], vector<16xf32>, vector<16xi1>
    }
    %scan3A_194 = arith.constant 256 : i32
    "tpu.region"() ({
      %run_scoped3A = tpu.sem_alloc : memref<!tpu.dma_semaphore, #tpu.memory_space<semaphore_mem>>
      %dma_start3A = tpu.memref_slice %arg4[%mul3A_0] : memref<6144xi32, #tpu.memory_space<hbm>> -> memref<384xi32, #tpu.memory_space<hbm>>
      %dma_start3A_195 = tpu.memref_slice %arg4[%mul3A_0] : memref<6144xi32, #tpu.memory_space<hbm>> -> memref<384xi32, #tpu.memory_space<hbm>>
      tpu.enqueue_dma source(%arg8 : memref<384xi32, #tpu.memory_space<vmem>>) target(%dma_start3A_195 : memref<384xi32, #tpu.memory_space<hbm>>) target_semaphore(%run_scoped3A : memref<!tpu.dma_semaphore, #tpu.memory_space<semaphore_mem>>)
      %dma_wait3A = tpu.memref_slice %arg4[%mul3A_0] : memref<6144xi32, #tpu.memory_space<hbm>> -> memref<384xi32, #tpu.memory_space<hbm>>
      %dma_wait3A_196 = tpu.memref_slice %arg4[%mul3A_0] : memref<6144xi32, #tpu.memory_space<hbm>> -> memref<384xi32, #tpu.memory_space<hbm>>
      tpu.wait_dma2 semaphore(%run_scoped3A : memref<!tpu.dma_semaphore, #tpu.memory_space<semaphore_mem>>) src(%arg8 : memref<384xi32, #tpu.memory_space<vmem>>) dst(%dma_wait3A_196 : memref<384xi32, #tpu.memory_space<hbm>>)
      tpu.yield
    }) : () -> ()
    "tpu.region"() ({
      %run_scoped3A = tpu.sem_alloc : memref<!tpu.dma_semaphore, #tpu.memory_space<semaphore_mem>>
      %dma_start3A = tpu.memref_slice %arg5[%mul3A_0] : memref<6144xf32, #tpu.memory_space<hbm>> -> memref<384xf32, #tpu.memory_space<hbm>>
      %dma_start3A_195 = tpu.memref_slice %arg5[%mul3A_0] : memref<6144xf32, #tpu.memory_space<hbm>> -> memref<384xf32, #tpu.memory_space<hbm>>
      tpu.enqueue_dma source(%arg9 : memref<384xf32, #tpu.memory_space<vmem>>) target(%dma_start3A_195 : memref<384xf32, #tpu.memory_space<hbm>>) target_semaphore(%run_scoped3A : memref<!tpu.dma_semaphore, #tpu.memory_space<semaphore_mem>>)
      %dma_wait3A = tpu.memref_slice %arg5[%mul3A_0] : memref<6144xf32, #tpu.memory_space<hbm>> -> memref<384xf32, #tpu.memory_space<hbm>>
      %dma_wait3A_196 = tpu.memref_slice %arg5[%mul3A_0] : memref<6144xf32, #tpu.memory_space<hbm>> -> memref<384xf32, #tpu.memory_space<hbm>>
      tpu.wait_dma2 semaphore(%run_scoped3A : memref<!tpu.dma_semaphore, #tpu.memory_space<semaphore_mem>>) src(%arg9 : memref<384xf32, #tpu.memory_space<vmem>>) dst(%dma_wait3A_196 : memref<384xf32, #tpu.memory_space<hbm>>)
      tpu.yield
    }) : () -> ()
    return
  }
}

module attributes {stable_mosaic.version = 14 : i64} {
  func.func @_ffn_kernel(%arg0: i32, %arg1: memref<24xi32, #tpu.memory_space<smem>>, %arg2: memref<1xi32, #tpu.memory_space<smem>>, %arg3: memref<2048x1024xf32, #tpu.memory_space<vmem>>, %arg4: memref<1x1024x2048xf32, #tpu.memory_space<vmem>>, %arg5: memref<1x1x2048xf32, #tpu.memory_space<vmem>>, %arg6: memref<1x2048x1024xf32, #tpu.memory_space<vmem>>, %arg7: memref<1x1x1024xf32, #tpu.memory_space<vmem>>, %arg8: memref<1x1x256xi32, #tpu.memory_space<vmem>>, %arg9: memref<1x1x256xf32, #tpu.memory_space<vmem>>, %arg10: memref<2048x1024xf32, #tpu.memory_space<vmem>>) attributes {dimension_semantics = [#tpu.dimension_semantics<arbitrary>], iteration_bounds = array<i64: 24>, scalar_prefetch = 2 : i64, scratch_operands = 0 : i64, tpu.core_type = #tpu.core_type<tc>, window_params = [{pipeline_mode = #tpu.pipeline_mode<synchronous>, transform_indices = @transform_0, window_bounds = array<i64: 2048, 1024>}, {transform_indices = @transform_1, window_bounds = array<i64: 1, 1024, 2048>}, {transform_indices = @transform_2, window_bounds = array<i64: 1, 1, 2048>}, {transform_indices = @transform_3, window_bounds = array<i64: 1, 2048, 1024>}, {transform_indices = @transform_4, window_bounds = array<i64: 1, 1, 1024>}, {transform_indices = @transform_5, window_bounds = array<i64: 1, 1, 256>}, {transform_indices = @transform_6, window_bounds = array<i64: 1, 1, 256>}, {pipeline_mode = #tpu.pipeline_mode<synchronous>, transform_indices = @transform_7, window_bounds = array<i64: 2048, 1024>}]} {
    %eq3A = arith.constant 0 : i32
    %eq3A_0 = arith.cmpi eq, %arg0, %eq3A : i32
    %convert_element_type3A = arith.extui %eq3A_0 : i1 to i32
    %cond3A = arith.constant 0 : i32
    %cond3A_1 = arith.cmpi ne, %convert_element_type3A, %cond3A : i32
    scf.if %cond3A_1 {
      %broadcast_in_dim3A = arith.constant 0.000000e+00 : f32
      %broadcast_in_dim3A_6 = vector.broadcast %broadcast_in_dim3A : f32 to vector<2048x1024xf32>
      %swap3A = arith.constant 0 : index
      %swap3A_7 = arith.constant 0 : index
      %swap3A_8 = vector.load %arg10[%swap3A, %swap3A_7] : memref<2048x1024xf32, #tpu.memory_space<vmem>>, vector<2048x1024xf32>
      tpu.vector_store %arg10[%swap3A, %swap3A_7], %broadcast_in_dim3A_6 {strides = array<i32>} : memref<2048x1024xf32, #tpu.memory_space<vmem>>, vector<2048x1024xf32>,
    } else {
    }
    %get3A = arith.constant 0 : index
    %get3A_2 = memref.load %arg2[%get3A] : memref<1xi32, #tpu.memory_space<smem>>
    %lt3A = arith.cmpi slt, %arg0, %get3A_2 : i32
    %convert_element_type3A_3 = arith.extui %lt3A : i1 to i32
    %cond3A_4 = arith.constant 0 : i32
    %cond3A_5 = arith.cmpi ne, %convert_element_type3A_3, %cond3A_4 : i32
    scf.if %cond3A_5 {
      %iota3A = tpu.iota {dimensions = array<i32: 0>} : vector<2048x256xi32>
      %get3A_6 = arith.constant 0 : index
      %get3A_7 = arith.constant 0 : index
      %get3A_8 = arith.constant 0 : index
      %get3A_9 = vector.load %arg8[%get3A_6, %get3A_7, %get3A_8] : memref<1x1x256xi32, #tpu.memory_space<vmem>>, vector<1x1x256xi32>
      %get3A_10 = vector.shape_cast %get3A_9 : vector<1x1x256xi32> to vector<1x256xi32>
      %eq3A_11 = vector.broadcast %get3A_10 : vector<1x256xi32> to vector<2048x256xi32>
      %eq3A_12 = arith.cmpi eq, %eq3A_11, %iota3A : vector<2048x256xi32>
      %convert_element_type3A_13 = arith.extui %eq3A_12 : vector<2048x256xi1> to vector<2048x256xi32>
      %convert_element_type3A_14 = arith.sitofp %convert_element_type3A_13 : vector<2048x256xi32> to vector<2048x256xf32>
      %convert_element_type3A_15 = arith.truncf %convert_element_type3A_14 : vector<2048x256xf32> to vector<2048x256xbf16>
      %get3A_16 = arith.constant 0 : index
      %get3A_17 = arith.constant 0 : index
      %get3A_18 = vector.load %arg3[%get3A_16, %get3A_17] : memref<2048x1024xf32, #tpu.memory_space<vmem>>, vector<2048x1024xf32>
      %convert_element_type3A_19 = arith.truncf %get3A_18 : vector<2048x1024xf32> to vector<2048x1024xbf16>
      %dot_general3A = arith.constant dense<0.000000e+00> : vector<256x1024xf32>
      %dot_general3A_20 = tpu.matmul %convert_element_type3A_15, %convert_element_type3A_19, %dot_general3A {dimension_numbers = #tpu.dot_dimension_numbers<[0], [0], [1], [1], [0, 1, 1, 1], [], []>, transpose_lhs_hint = true} : vector<2048x256xbf16>, vector<2048x1024xbf16>, vector<256x1024xf32> -> vector<256x1024xf32>
      %convert_element_type3A_21 = arith.truncf %dot_general3A_20 : vector<256x1024xf32> to vector<256x1024xbf16>
      %get3A_22 = arith.constant 0 : index
      %get3A_23 = arith.constant 0 : index
      %get3A_24 = arith.constant 0 : index
      %get3A_25 = vector.load %arg4[%get3A_22, %get3A_23, %get3A_24] : memref<1x1024x2048xf32, #tpu.memory_space<vmem>>, vector<1x1024x2048xf32>
      %get3A_26 = vector.shape_cast %get3A_25 : vector<1x1024x2048xf32> to vector<1024x2048xf32>
      %convert_element_type3A_27 = arith.truncf %get3A_26 : vector<1024x2048xf32> to vector<1024x2048xbf16>
      %dot_general3A_28 = arith.constant dense<0.000000e+00> : vector<256x2048xf32>
      %dot_general3A_29 = tpu.matmul %convert_element_type3A_21, %convert_element_type3A_27, %dot_general3A_28 {dimension_numbers = #tpu.dot_dimension_numbers<[1], [0], [0], [1], [0, 0, 1, 1], [], []>, transpose_lhs_hint = false} : vector<256x1024xbf16>, vector<1024x2048xbf16>, vector<256x2048xf32> -> vector<256x2048xf32>
      %get3A_30 = arith.constant 0 : index
      %get3A_31 = arith.constant 0 : index
      %get3A_32 = arith.constant 0 : index
      %get3A_33 = vector.load %arg5[%get3A_30, %get3A_31, %get3A_32] : memref<1x1x2048xf32, #tpu.memory_space<vmem>>, vector<1x1x2048xf32>
      %get3A_34 = vector.shape_cast %get3A_33 : vector<1x1x2048xf32> to vector<1x2048xf32>
      %add3A = vector.broadcast %get3A_34 : vector<1x2048xf32> to vector<256x2048xf32>
      %add3A_35 = arith.addf %dot_general3A_29, %add3A : vector<256x2048xf32>
      %max3A = arith.constant 0.000000e+00 : f32
      %max3A_36 = vector.broadcast %max3A : f32 to vector<256x2048xf32>
      %max3A_37 = arith.maximumf %add3A_35, %max3A_36 : vector<256x2048xf32>
      %convert_element_type3A_38 = arith.truncf %max3A_37 : vector<256x2048xf32> to vector<256x2048xbf16>
      %get3A_39 = arith.constant 0 : index
      %get3A_40 = arith.constant 0 : index
      %get3A_41 = arith.constant 0 : index
      %get3A_42 = vector.load %arg6[%get3A_39, %get3A_40, %get3A_41] : memref<1x2048x1024xf32, #tpu.memory_space<vmem>>, vector<1x2048x1024xf32>
      %get3A_43 = vector.shape_cast %get3A_42 : vector<1x2048x1024xf32> to vector<2048x1024xf32>
      %convert_element_type3A_44 = arith.truncf %get3A_43 : vector<2048x1024xf32> to vector<2048x1024xbf16>
      %dot_general3A_45 = arith.constant dense<0.000000e+00> : vector<256x1024xf32>
      %dot_general3A_46 = tpu.matmul %convert_element_type3A_38, %convert_element_type3A_44, %dot_general3A_45 {dimension_numbers = #tpu.dot_dimension_numbers<[1], [0], [0], [1], [0, 0, 1, 1], [], []>, transpose_lhs_hint = false} : vector<256x2048xbf16>, vector<2048x1024xbf16>, vector<256x1024xf32> -> vector<256x1024xf32>
      %get3A_47 = arith.constant 0 : index
      %get3A_48 = arith.constant 0 : index
      %get3A_49 = arith.constant 0 : index
      %get3A_50 = vector.load %arg7[%get3A_47, %get3A_48, %get3A_49] : memref<1x1x1024xf32, #tpu.memory_space<vmem>>, vector<1x1x1024xf32>
      %get3A_51 = vector.shape_cast %get3A_50 : vector<1x1x1024xf32> to vector<1x1024xf32>
      %add3A_52 = vector.broadcast %get3A_51 : vector<1x1024xf32> to vector<256x1024xf32>
      %add3A_53 = arith.addf %dot_general3A_46, %add3A_52 : vector<256x1024xf32>
      %convert_element_type3A_54 = arith.truncf %add3A_53 : vector<256x1024xf32> to vector<256x1024xbf16>
      %get3A_55 = arith.constant 0 : index
      %get3A_56 = arith.constant 0 : index
      %get3A_57 = arith.constant 0 : index
      %get3A_58 = vector.load %arg9[%get3A_55, %get3A_56, %get3A_57] : memref<1x1x256xf32, #tpu.memory_space<vmem>>, vector<1x1x256xf32>
      %get3A_59 = vector.shape_cast %get3A_58 : vector<1x1x256xf32> to vector<1x256xf32>
      %jit3A = arith.constant 0.000000e+00 : f32
      %broadcast_in_dim3A = vector.shape_cast %get3A_59 : vector<1x256xf32> to vector<1x256xf32>
      %broadcast_in_dim3A_60 = vector.broadcast %broadcast_in_dim3A : vector<1x256xf32> to vector<2048x256xf32>
      %broadcast_in_dim3A_61 = vector.broadcast %jit3A : f32 to vector<2048x256xf32>
      %select_n3A = arith.select %eq3A_12, %broadcast_in_dim3A_60, %broadcast_in_dim3A_61 : vector<2048x256xi1>, vector<2048x256xf32>
      %get3A_62 = arith.constant 0 : index
      %get3A_63 = arith.constant 0 : index
      %get3A_64 = vector.load %arg10[%get3A_62, %get3A_63] : memref<2048x1024xf32, #tpu.memory_space<vmem>>, vector<2048x1024xf32>
      %convert_element_type3A_65 = arith.truncf %select_n3A : vector<2048x256xf32> to vector<2048x256xbf16>
      %dot_general3A_66 = arith.constant dense<0.000000e+00> : vector<2048x1024xf32>
      %dot_general3A_67 = tpu.matmul %convert_element_type3A_65, %convert_element_type3A_54, %dot_general3A_66 {dimension_numbers = #tpu.dot_dimension_numbers<[1], [0], [0], [1], [0, 0, 1, 1], [], []>, transpose_lhs_hint = false} : vector<2048x256xbf16>, vector<256x1024xbf16>, vector<2048x1024xf32> -> vector<2048x1024xf32>
      %add3A_68 = arith.addf %get3A_64, %dot_general3A_67 : vector<2048x1024xf32>
      %swap3A = arith.constant 0 : index
      %swap3A_69 = arith.constant 0 : index
      %swap3A_70 = vector.load %arg10[%swap3A, %swap3A_69] : memref<2048x1024xf32, #tpu.memory_space<vmem>>, vector<2048x1024xf32>
      tpu.vector_store %arg10[%swap3A, %swap3A_69], %add3A_68 {strides = array<i32>} : memref<2048x1024xf32, #tpu.memory_space<vmem>>, vector<2048x1024xf32>,
    } else {
    }
    return
  }
  func.func @transform_0(%arg0: i32, %arg1: memref<24xi32, #tpu.memory_space<smem>>, %arg2: memref<1xi32, #tpu.memory_space<smem>>) -> (i32, i32) {
    %c0_i32 = arith.constant 0 : i32
    %c0_i32_0 = arith.constant 0 : i32
    %c0_i32_1 = arith.constant 0 : i32
    return %c0_i32, %c0_i32_0 : i32, i32
  }
  func.func @transform_1(%arg0: i32, %arg1: memref<24xi32, #tpu.memory_space<smem>>, %arg2: memref<1xi32, #tpu.memory_space<smem>>) -> (i32, i32, i32) {
    %get3A = arith.index_cast %arg0 : i32 to index
    %get3A_0 = memref.load %arg1[%get3A] : memref<24xi32, #tpu.memory_space<smem>>
    %c0_i32 = arith.constant 0 : i32
    %c0_i32_1 = arith.constant 0 : i32
    %c0_i32_2 = arith.constant 0 : i32
    return %get3A_0, %c0_i32, %c0_i32_1 : i32, i32, i32
  }
  func.func @transform_2(%arg0: i32, %arg1: memref<24xi32, #tpu.memory_space<smem>>, %arg2: memref<1xi32, #tpu.memory_space<smem>>) -> (i32, i32, i32) {
    %get3A = arith.index_cast %arg0 : i32 to index
    %get3A_0 = memref.load %arg1[%get3A] : memref<24xi32, #tpu.memory_space<smem>>
    %c0_i32 = arith.constant 0 : i32
    %c0_i32_1 = arith.constant 0 : i32
    %c0_i32_2 = arith.constant 0 : i32
    return %get3A_0, %c0_i32, %c0_i32_1 : i32, i32, i32
  }
  func.func @transform_3(%arg0: i32, %arg1: memref<24xi32, #tpu.memory_space<smem>>, %arg2: memref<1xi32, #tpu.memory_space<smem>>) -> (i32, i32, i32) {
    %get3A = arith.index_cast %arg0 : i32 to index
    %get3A_0 = memref.load %arg1[%get3A] : memref<24xi32, #tpu.memory_space<smem>>
    %c0_i32 = arith.constant 0 : i32
    %c0_i32_1 = arith.constant 0 : i32
    %c0_i32_2 = arith.constant 0 : i32
    return %get3A_0, %c0_i32, %c0_i32_1 : i32, i32, i32
  }
  func.func @transform_4(%arg0: i32, %arg1: memref<24xi32, #tpu.memory_space<smem>>, %arg2: memref<1xi32, #tpu.memory_space<smem>>) -> (i32, i32, i32) {
    %get3A = arith.index_cast %arg0 : i32 to index
    %get3A_0 = memref.load %arg1[%get3A] : memref<24xi32, #tpu.memory_space<smem>>
    %c0_i32 = arith.constant 0 : i32
    %c0_i32_1 = arith.constant 0 : i32
    %c0_i32_2 = arith.constant 0 : i32
    return %get3A_0, %c0_i32, %c0_i32_1 : i32, i32, i32
  }
  func.func @transform_5(%arg0: i32, %arg1: memref<24xi32, #tpu.memory_space<smem>>, %arg2: memref<1xi32, #tpu.memory_space<smem>>) -> (i32, i32, i32) {
    %c0_i32 = arith.constant 0 : i32
    %c0_i32_0 = arith.constant 0 : i32
    %c0_i32_1 = arith.constant 0 : i32
    return %arg0, %c0_i32, %c0_i32_0 : i32, i32, i32
  }
  func.func @transform_6(%arg0: i32, %arg1: memref<24xi32, #tpu.memory_space<smem>>, %arg2: memref<1xi32, #tpu.memory_space<smem>>) -> (i32, i32, i32) {
    %c0_i32 = arith.constant 0 : i32
    %c0_i32_0 = arith.constant 0 : i32
    %c0_i32_1 = arith.constant 0 : i32
    return %arg0, %c0_i32, %c0_i32_0 : i32, i32, i32
  }
  func.func @transform_7(%arg0: i32, %arg1: memref<24xi32, #tpu.memory_space<smem>>, %arg2: memref<1xi32, #tpu.memory_space<smem>>) -> (i32, i32) {
    %c0_i32 = arith.constant 0 : i32
    %c0_i32_0 = arith.constant 0 : i32
    %c0_i32_1 = arith.constant 0 : i32
    return %c0_i32, %c0_i32_0 : i32, i32
  }
}

module attributes {stable_mosaic.version = 14 : i64} {
  func.func @_router_kernel(%arg0: memref<2048x1024xf32, #tpu.memory_space<vmem>>, %arg1: memref<1024x8xf32, #tpu.memory_space<vmem>>, %arg2: memref<8xf32, #tpu.memory_space<vmem>>, %arg3: memref<4096x1xi32, #tpu.memory_space<vmem>>, %arg4: memref<4096x1xf32, #tpu.memory_space<vmem>>, %arg5: memref<24x1xi32, #tpu.memory_space<vmem>>, %arg6: memref<1x1xi32, #tpu.memory_space<vmem>>, %arg7: memref<1x1xf32, #tpu.memory_space<vmem>>) attributes {dimension_semantics = [], scalar_prefetch = 0 : i64, scratch_operands = 0 : i64, tpu.core_type = #tpu.core_type<tc>} {
    %get3A = arith.constant 0 : index
    %get3A_0 = arith.constant 0 : index
    %get3A_1 = vector.load %arg0[%get3A, %get3A_0] : memref<2048x1024xf32, #tpu.memory_space<vmem>>, vector<2048x1024xf32>
    %get3A_2 = arith.constant 0 : index
    %get3A_3 = arith.constant 0 : index
    %get3A_4 = vector.load %arg1[%get3A_2, %get3A_3] : memref<1024x8xf32, #tpu.memory_space<vmem>>, vector<1024x8xf32>
    %dot_general3A = arith.constant dense<0.000000e+00> : vector<2048x8xf32>
    %dot_general3A_5 = tpu.matmul %get3A_1, %get3A_4, %dot_general3A {dimension_numbers = #tpu.dot_dimension_numbers<[1], [0], [0], [1], [0, 0, 1, 1], [], []>, transpose_lhs_hint = false} : vector<2048x1024xf32>, vector<1024x8xf32>, vector<2048x8xf32> -> vector<2048x8xf32>
    %get3A_6 = arith.constant 0 : index
    %get3A_7 = vector.load %arg2[%get3A_6] : memref<8xf32, #tpu.memory_space<vmem>>, vector<8xf32>
    %broadcast_in_dim3A = vector.shape_cast %get3A_7 : vector<8xf32> to vector<1x8xf32>
    %add3A = vector.broadcast %broadcast_in_dim3A : vector<1x8xf32> to vector<2048x8xf32>
    %add3A_8 = arith.addf %dot_general3A_5, %add3A : vector<2048x8xf32>
    %reduce_max3A = arith.constant dense<0xFF800000> : vector<2048xf32>
    %reduce_max3A_9 = vector.multi_reduction <maximumf>, %add3A_8, %reduce_max3A [1] : vector<2048x8xf32> to vector<2048xf32>
    %broadcast_in_dim3A_10 = vector.shape_cast %reduce_max3A_9 : vector<2048xf32> to vector<2048x1xf32>
    %sub3A = vector.broadcast %broadcast_in_dim3A_10 : vector<2048x1xf32> to vector<2048x8xf32>
    %sub3A_11 = arith.subf %add3A_8, %sub3A : vector<2048x8xf32>
    %exp3A = math.exp %sub3A_11 : vector<2048x8xf32>
    %reduce_sum3A = arith.constant dense<0.000000e+00> : vector<2048xf32>
    %reduce_sum3A_12 = vector.multi_reduction <add>, %exp3A, %reduce_sum3A [1] : vector<2048x8xf32> to vector<2048xf32>
    %broadcast_in_dim3A_13 = vector.shape_cast %reduce_sum3A_12 : vector<2048xf32> to vector<2048x1xf32>
    %div3A = vector.broadcast %broadcast_in_dim3A_13 : vector<2048x1xf32> to vector<2048x8xf32>
    %div3A_14 = arith.divf %exp3A, %div3A : vector<2048x8xf32>
    %iota3A = tpu.iota {dimensions = array<i32: 1>} : vector<2048x8xi32>
    %reduce_max3A_15 = arith.constant dense<0xFF800000> : vector<2048xf32>
    %reduce_max3A_16 = vector.multi_reduction <maximumf>, %div3A_14, %reduce_max3A_15 [1] : vector<2048x8xf32> to vector<2048xf32>
    %broadcast_in_dim3A_17 = vector.shape_cast %reduce_max3A_16 : vector<2048xf32> to vector<2048x1xf32>
    %eq3A = vector.broadcast %broadcast_in_dim3A_17 : vector<2048x1xf32> to vector<2048x8xf32>
    %eq3A_18 = arith.cmpf oeq, %div3A_14, %eq3A : vector<2048x8xf32>
    %jit3A = arith.constant 8 : i32
    %broadcast_in_dim3A_19 = vector.broadcast %jit3A : i32 to vector<2048x8xi32>
    %select_n3A = arith.select %eq3A_18, %iota3A, %broadcast_in_dim3A_19 : vector<2048x8xi1>, vector<2048x8xi32>
    %reduce_min3A = arith.constant dense<2147483647> : vector<2048xi32>
    %reduce_min3A_20 = vector.multi_reduction <minsi>, %select_n3A, %reduce_min3A [1] : vector<2048x8xi32> to vector<2048xi32>
    %broadcast_in_dim3A_21 = vector.shape_cast %reduce_min3A_20 : vector<2048xi32> to vector<2048x1xi32>
    %eq3A_22 = vector.broadcast %broadcast_in_dim3A_21 : vector<2048x1xi32> to vector<2048x8xi32>
    %eq3A_23 = arith.cmpi eq, %iota3A, %eq3A_22 : vector<2048x8xi32>
    %jit3A_24 = arith.constant 0xFF800000 : f32
    %broadcast_in_dim3A_25 = vector.broadcast %jit3A_24 : f32 to vector<2048x8xf32>
    %select_n3A_26 = arith.select %eq3A_23, %broadcast_in_dim3A_25, %div3A_14 : vector<2048x8xi1>, vector<2048x8xf32>
    %reduce_max3A_27 = arith.constant dense<0xFF800000> : vector<2048xf32>
    %reduce_max3A_28 = vector.multi_reduction <maximumf>, %select_n3A_26, %reduce_max3A_27 [1] : vector<2048x8xf32> to vector<2048xf32>
    %broadcast_in_dim3A_29 = vector.shape_cast %reduce_max3A_28 : vector<2048xf32> to vector<2048x1xf32>
    %eq3A_30 = vector.broadcast %broadcast_in_dim3A_29 : vector<2048x1xf32> to vector<2048x8xf32>
    %eq3A_31 = arith.cmpf oeq, %select_n3A_26, %eq3A_30 : vector<2048x8xf32>
    %jit3A_32 = arith.constant 8 : i32
    %broadcast_in_dim3A_33 = vector.broadcast %jit3A_32 : i32 to vector<2048x8xi32>
    %select_n3A_34 = arith.select %eq3A_31, %iota3A, %broadcast_in_dim3A_33 : vector<2048x8xi1>, vector<2048x8xi32>
    %reduce_min3A_35 = arith.constant dense<2147483647> : vector<2048xi32>
    %reduce_min3A_36 = vector.multi_reduction <minsi>, %select_n3A_34, %reduce_min3A_35 [1] : vector<2048x8xi32> to vector<2048xi32>
    %broadcast_in_dim3A_37 = vector.shape_cast %reduce_min3A_36 : vector<2048xi32> to vector<2048x1xi32>
    %eq3A_38 = vector.broadcast %broadcast_in_dim3A_37 : vector<2048x1xi32> to vector<2048x8xi32>
    %eq3A_39 = arith.cmpi eq, %iota3A, %eq3A_38 : vector<2048x8xi32>
    %swap3A = arith.constant 0 : index
    %swap3A_40 = arith.constant 0 : index
    %swap3A_41 = vector.load %arg4[%swap3A, %swap3A_40] : memref<4096x1xf32, #tpu.memory_space<vmem>>, vector<2048x1xf32>
    tpu.vector_store %arg4[%swap3A, %swap3A_40], %broadcast_in_dim3A_17 {strides = array<i32>} : memref<4096x1xf32, #tpu.memory_space<vmem>>, vector<2048x1xf32>,
    %swap3A_42 = arith.constant 2048 : index
    %swap3A_43 = arith.constant 0 : index
    %swap3A_44 = vector.load %arg4[%swap3A_42, %swap3A_43] : memref<4096x1xf32, #tpu.memory_space<vmem>>, vector<2048x1xf32>
    tpu.vector_store %arg4[%swap3A_42, %swap3A_43], %broadcast_in_dim3A_29 {strides = array<i32>} : memref<4096x1xf32, #tpu.memory_space<vmem>>, vector<2048x1xf32>,
    %convert_element_type3A = arith.extui %eq3A_23 : vector<2048x8xi1> to vector<2048x8xi32>
    %convert_element_type3A_45 = arith.sitofp %convert_element_type3A : vector<2048x8xi32> to vector<2048x8xf32>
    %convert_element_type3A_46 = arith.extui %eq3A_39 : vector<2048x8xi1> to vector<2048x8xi32>
    %convert_element_type3A_47 = arith.sitofp %convert_element_type3A_46 : vector<2048x8xi32> to vector<2048x8xf32>
    %mul3A = vector.broadcast %broadcast_in_dim3A_17 : vector<2048x1xf32> to vector<2048x8xf32>
    %mul3A_48 = arith.mulf %convert_element_type3A_45, %mul3A : vector<2048x8xf32>
    %mul3A_49 = vector.broadcast %broadcast_in_dim3A_29 : vector<2048x1xf32> to vector<2048x8xf32>
    %mul3A_50 = arith.mulf %convert_element_type3A_47, %mul3A_49 : vector<2048x8xf32>
    %add3A_51 = arith.addf %mul3A_48, %mul3A_50 : vector<2048x8xf32>
    %reduce_sum3A_52 = arith.constant dense<0.000000e+00> : vector<8xf32>
    %reduce_sum3A_53 = vector.multi_reduction <add>, %add3A_51, %reduce_sum3A_52 [0] : vector<2048x8xf32> to vector<8xf32>
    %reduce_sum3A_54 = vector.shape_cast %reduce_sum3A_53 : vector<8xf32> to vector<1x8xf32>
    %reduce_sum3A_55 = arith.constant dense<0.000000e+00> : vector<1xf32>
    %reduce_sum3A_56 = vector.multi_reduction <add>, %reduce_sum3A_54, %reduce_sum3A_55 [1] : vector<1x8xf32> to vector<1xf32>
    %reduce_sum3A_57 = vector.shape_cast %reduce_sum3A_56 : vector<1xf32> to vector<1x1xf32>
    %reduce_sum3A_58 = vector.extract %reduce_sum3A_57[0, 0] : f32 from vector<1x1xf32>
    %div3A_59 = arith.constant 8.000000e+00 : f32
    %div3A_60 = arith.divf %reduce_sum3A_58, %div3A_59 : f32
    %sub3A_61 = vector.broadcast %div3A_60 : f32 to vector<8xf32>
    %sub3A_62 = arith.subf %reduce_sum3A_53, %sub3A_61 : vector<8xf32>
    %integer_pow3A = arith.mulf %sub3A_62, %sub3A_62 : vector<8xf32>
    %reduce_sum3A_63 = vector.shape_cast %integer_pow3A : vector<8xf32> to vector<1x8xf32>
    %reduce_sum3A_64 = arith.constant dense<0.000000e+00> : vector<1xf32>
    %reduce_sum3A_65 = vector.multi_reduction <add>, %reduce_sum3A_63, %reduce_sum3A_64 [1] : vector<1x8xf32> to vector<1xf32>
    %reduce_sum3A_66 = vector.shape_cast %reduce_sum3A_65 : vector<1xf32> to vector<1x1xf32>
    %reduce_sum3A_67 = vector.extract %reduce_sum3A_66[0, 0] : f32 from vector<1x1xf32>
    %div3A_68 = arith.constant 7.000000e+00 : f32
    %div3A_69 = arith.divf %reduce_sum3A_67, %div3A_68 : f32
    %mul3A_70 = arith.mulf %div3A_60, %div3A_60 : f32
    %add3A_71 = arith.constant 9.99999971E-10 : f32
    %add3A_72 = arith.addf %mul3A_70, %add3A_71 : f32
    %div3A_73 = arith.divf %div3A_69, %add3A_72 : f32
    %reshape3A = vector.broadcast %div3A_73 : f32 to vector<1x1xf32>
    %swap3A_74 = arith.constant 0 : index
    %swap3A_75 = arith.constant 0 : index
    %swap3A_76 = vector.load %arg7[%swap3A_74, %swap3A_75] : memref<1x1xf32, #tpu.memory_space<vmem>>, vector<1x1xf32>
    tpu.vector_store %arg7[%swap3A_74, %swap3A_75], %reshape3A {strides = array<i32>} : memref<1x1xf32, #tpu.memory_space<vmem>>, vector<1x1xf32>,
    %reduce_sum3A_77 = arith.constant dense<0.000000e+00> : vector<8xf32>
    %reduce_sum3A_78 = vector.multi_reduction <add>, %convert_element_type3A_45, %reduce_sum3A_77 [0] : vector<2048x8xf32> to vector<8xf32>
    %broadcast_in_dim3A_79 = vector.shape_cast %reduce_sum3A_78 : vector<8xf32> to vector<1x8xf32>
    %reduce_sum3A_80 = arith.constant dense<0.000000e+00> : vector<8xf32>
    %reduce_sum3A_81 = vector.multi_reduction <add>, %convert_element_type3A_47, %reduce_sum3A_80 [0] : vector<2048x8xf32> to vector<8xf32>
    %broadcast_in_dim3A_82 = vector.shape_cast %reduce_sum3A_81 : vector<8xf32> to vector<1x8xf32>
    %add3A_83 = arith.addf %broadcast_in_dim3A_79, %broadcast_in_dim3A_82 : vector<1x8xf32>
    %convert_element_type3A_84 = arith.fptosi %add3A_83 : vector<1x8xf32> to vector<1x8xi32>
    %add3A_85 = arith.constant 255 : i32
    %add3A_86 = vector.broadcast %add3A_85 : i32 to vector<1x8xi32>
    %add3A_87 = arith.addi %convert_element_type3A_84, %add3A_86 : vector<1x8xi32>
    %shift_right_arithmetic3A = arith.constant 8 : i32
    %shift_right_arithmetic3A_88 = vector.broadcast %shift_right_arithmetic3A : i32 to vector<1x8xi32>
    %shift_right_arithmetic3A_89 = arith.shrsi %add3A_87, %shift_right_arithmetic3A_88 : vector<1x8xi32>
    %shift_left3A = arith.constant 8 : i32
    %shift_left3A_90 = vector.broadcast %shift_left3A : i32 to vector<1x8xi32>
    %shift_left3A_91 = arith.shli %shift_right_arithmetic3A_89, %shift_left3A_90 : vector<1x8xi32>
    %convert_element_type3A_92 = arith.sitofp %shift_left3A_91 : vector<1x8xi32> to vector<1x8xf32>
    %iota3A_93 = tpu.iota {dimensions = array<i32: 0>} : vector<8x8xi32>
    %iota3A_94 = tpu.iota {dimensions = array<i32: 1>} : vector<8x8xi32>
    %lt3A = arith.cmpi slt, %iota3A_93, %iota3A_94 : vector<8x8xi32>
    %convert_element_type3A_95 = arith.extui %lt3A : vector<8x8xi1> to vector<8x8xi32>
    %convert_element_type3A_96 = arith.sitofp %convert_element_type3A_95 : vector<8x8xi32> to vector<8x8xf32>
    %dot_general3A_97 = arith.constant dense<0.000000e+00> : vector<1x8xf32>
    %dot_general3A_98 = tpu.matmul %convert_element_type3A_92, %convert_element_type3A_96, %dot_general3A_97 {dimension_numbers = #tpu.dot_dimension_numbers<[1], [0], [0], [1], [0, 0, 1, 1], [], []>, transpose_lhs_hint = false} : vector<1x8xf32>, vector<8x8xf32>, vector<1x8xf32> -> vector<1x8xf32>
    %reduce_sum3A_99 = vector.shape_cast %shift_left3A_91 : vector<1x8xi32> to vector<1x1x8xi32>
    %reduce_sum3A_100 = arith.constant dense<0> : vector<1xi32>
    %reduce_sum3A_101 = vector.multi_reduction <add>, %reduce_sum3A_99, %reduce_sum3A_100 [1, 2] : vector<1x1x8xi32> to vector<1xi32>
    %reduce_sum3A_102 = vector.shape_cast %reduce_sum3A_101 : vector<1xi32> to vector<1x1x1xi32>
    %reduce_sum3A_103 = vector.extract %reduce_sum3A_102[0, 0, 0] : i32 from vector<1x1x1xi32>
    %shift_right_arithmetic3A_104 = arith.constant 8 : i32
    %shift_right_arithmetic3A_105 = arith.shrsi %reduce_sum3A_103, %shift_right_arithmetic3A_104 : i32
    %reshape3A_106 = vector.broadcast %shift_right_arithmetic3A_105 : i32 to vector<1x1xi32>
    %swap3A_107 = arith.constant 0 : index
    %swap3A_108 = arith.constant 0 : index
    %swap3A_109 = vector.load %arg6[%swap3A_107, %swap3A_108] : memref<1x1xi32, #tpu.memory_space<vmem>>, vector<1x1xi32>
    tpu.vector_store %arg6[%swap3A_107, %swap3A_108], %reshape3A_106 {strides = array<i32>} : memref<1x1xi32, #tpu.memory_space<vmem>>, vector<1x1xi32>,
    %iota3A_110 = tpu.iota {dimensions = array<i32: 0>} : vector<24x8xi32>
    %mul3A_111 = arith.constant 256 : i32
    %mul3A_112 = vector.broadcast %mul3A_111 : i32 to vector<24x8xi32>
    %mul3A_113 = arith.muli %mul3A_112, %iota3A_110 : vector<24x8xi32>
    %convert_element_type3A_114 = arith.sitofp %mul3A_113 : vector<24x8xi32> to vector<24x8xf32>
    %broadcast_in_dim3A_115 = vector.shape_cast %dot_general3A_98 : vector<1x8xf32> to vector<1x8xf32>
    %broadcast_in_dim3A_116 = vector.broadcast %broadcast_in_dim3A_115 : vector<1x8xf32> to vector<24x8xf32>
    %broadcast_in_dim3A_117 = vector.shape_cast %convert_element_type3A_92 : vector<1x8xf32> to vector<1x8xf32>
    %broadcast_in_dim3A_118 = vector.broadcast %broadcast_in_dim3A_117 : vector<1x8xf32> to vector<24x8xf32>
    %ge3A = arith.cmpf oge, %convert_element_type3A_114, %broadcast_in_dim3A_116 : vector<24x8xf32>
    %add3A_119 = arith.addf %broadcast_in_dim3A_116, %broadcast_in_dim3A_118 : vector<24x8xf32>
    %lt3A_120 = arith.cmpf olt, %convert_element_type3A_114, %add3A_119 : vector<24x8xf32>
    %and3A = arith.andi %ge3A, %lt3A_120 : vector<24x8xi1>
    %iota3A_121 = tpu.iota {dimensions = array<i32: 1>} : vector<24x8xi32>
    %add3A_122 = arith.constant 1 : i32
    %add3A_123 = vector.broadcast %add3A_122 : i32 to vector<24x8xi32>
    %add3A_124 = arith.addi %iota3A_121, %add3A_123 : vector<24x8xi32>
    %jit3A_125 = arith.constant 0 : i32
    %broadcast_in_dim3A_126 = vector.broadcast %jit3A_125 : i32 to vector<24x8xi32>
    %select_n3A_127 = arith.select %and3A, %add3A_124, %broadcast_in_dim3A_126 : vector<24x8xi1>, vector<24x8xi32>
    %reduce_sum3A_128 = arith.constant dense<0> : vector<24xi32>
    %reduce_sum3A_129 = vector.multi_reduction <add>, %select_n3A_127, %reduce_sum3A_128 [1] : vector<24x8xi32> to vector<24xi32>
    %broadcast_in_dim3A_130 = vector.shape_cast %reduce_sum3A_129 : vector<24xi32> to vector<24x1xi32>
    %sub3A_131 = arith.constant 1 : i32
    %sub3A_132 = vector.broadcast %sub3A_131 : i32 to vector<24x1xi32>
    %sub3A_133 = arith.subi %broadcast_in_dim3A_130, %sub3A_132 : vector<24x1xi32>
    %lt3A_134 = arith.constant 0 : i32
    %lt3A_135 = vector.broadcast %lt3A_134 : i32 to vector<24x1xi32>
    %lt3A_136 = arith.cmpi slt, %sub3A_133, %lt3A_135 : vector<24x1xi32>
    %jit3A_137 = arith.constant 7 : i32
    %broadcast_in_dim3A_138 = vector.broadcast %jit3A_137 : i32 to vector<24x1xi32>
    %select_n3A_139 = arith.select %lt3A_136, %broadcast_in_dim3A_138, %sub3A_133 : vector<24x1xi1>, vector<24x1xi32>
    %swap3A_140 = arith.constant 0 : index
    %swap3A_141 = arith.constant 0 : index
    %swap3A_142 = vector.load %arg5[%swap3A_140, %swap3A_141] : memref<24x1xi32, #tpu.memory_space<vmem>>, vector<24x1xi32>
    tpu.vector_store %arg5[%swap3A_140, %swap3A_141], %select_n3A_139 {strides = array<i32>} : memref<24x1xi32, #tpu.memory_space<vmem>>, vector<24x1xi32>,
    %iota3A_143 = tpu.iota {dimensions = array<i32: 0>} : vector<512x512xi32>
    %iota3A_144 = tpu.iota {dimensions = array<i32: 1>} : vector<512x512xi32>
    %lt3A_145 = arith.cmpi slt, %iota3A_144, %iota3A_143 : vector<512x512xi32>
    %convert_element_type3A_146 = arith.extui %lt3A_145 : vector<512x512xi1> to vector<512x512xi32>
    %convert_element_type3A_147 = arith.sitofp %convert_element_type3A_146 : vector<512x512xi32> to vector<512x512xf32>
    %broadcast_in_dim3A_148 = arith.constant 0.000000e+00 : f32
    %broadcast_in_dim3A_149 = vector.broadcast %broadcast_in_dim3A_148 : f32 to vector<1x8xf32>
    %slice3A = vector.extract_strided_slice %convert_element_type3A_45 {offsets = [0, 0], sizes = [512, 8], strides = [1, 1]} : vector<2048x8xf32> to vector<512x8xf32>
    %dot_general3A_150 = arith.constant dense<0.000000e+00> : vector<512x8xf32>
    %dot_general3A_151 = tpu.matmul %convert_element_type3A_147, %slice3A, %dot_general3A_150 {dimension_numbers = #tpu.dot_dimension_numbers<[1], [0], [0], [1], [0, 0, 1, 1], [], []>, transpose_lhs_hint = false} : vector<512x512xf32>, vector<512x8xf32>, vector<512x8xf32> -> vector<512x8xf32>
    %add3A_152 = vector.broadcast %broadcast_in_dim3A_149 : vector<1x8xf32> to vector<512x8xf32>
    %add3A_153 = arith.addf %dot_general3A_151, %add3A_152 : vector<512x8xf32>
    %add3A_154 = vector.broadcast %dot_general3A_98 : vector<1x8xf32> to vector<512x8xf32>
    %add3A_155 = arith.addf %add3A_154, %add3A_153 : vector<512x8xf32>
    %mul3A_156 = arith.mulf %add3A_155, %slice3A : vector<512x8xf32>
    %reduce_sum3A_157 = arith.constant dense<0.000000e+00> : vector<512xf32>
    %reduce_sum3A_158 = vector.multi_reduction <add>, %mul3A_156, %reduce_sum3A_157 [1] : vector<512x8xf32> to vector<512xf32>
    %broadcast_in_dim3A_159 = vector.shape_cast %reduce_sum3A_158 : vector<512xf32> to vector<512x1xf32>
    %convert_element_type3A_160 = arith.fptosi %broadcast_in_dim3A_159 : vector<512x1xf32> to vector<512x1xi32>
    %swap3A_161 = arith.constant 0 : index
    %swap3A_162 = arith.constant 0 : index
    %swap3A_163 = vector.load %arg3[%swap3A_161, %swap3A_162] : memref<4096x1xi32, #tpu.memory_space<vmem>>, vector<512x1xi32>
    tpu.vector_store %arg3[%swap3A_161, %swap3A_162], %convert_element_type3A_160 {strides = array<i32>} : memref<4096x1xi32, #tpu.memory_space<vmem>>, vector<512x1xi32>,
    %reduce_sum3A_164 = arith.constant dense<0.000000e+00> : vector<8xf32>
    %reduce_sum3A_165 = vector.multi_reduction <add>, %slice3A, %reduce_sum3A_164 [0] : vector<512x8xf32> to vector<8xf32>
    %broadcast_in_dim3A_166 = vector.shape_cast %reduce_sum3A_165 : vector<8xf32> to vector<1x8xf32>
    %add3A_167 = arith.addf %broadcast_in_dim3A_149, %broadcast_in_dim3A_166 : vector<1x8xf32>
    %slice3A_168 = vector.extract_strided_slice %convert_element_type3A_45 {offsets = [512, 0], sizes = [512, 8], strides = [1, 1]} : vector<2048x8xf32> to vector<512x8xf32>
    %dot_general3A_169 = arith.constant dense<0.000000e+00> : vector<512x8xf32>
    %dot_general3A_170 = tpu.matmul %convert_element_type3A_147, %slice3A_168, %dot_general3A_169 {dimension_numbers = #tpu.dot_dimension_numbers<[1], [0], [0], [1], [0, 0, 1, 1], [], []>, transpose_lhs_hint = false} : vector<512x512xf32>, vector<512x8xf32>, vector<512x8xf32> -> vector<512x8xf32>
    %add3A_171 = vector.broadcast %add3A_167 : vector<1x8xf32> to vector<512x8xf32>
    %add3A_172 = arith.addf %dot_general3A_170, %add3A_171 : vector<512x8xf32>
    %add3A_173 = vector.broadcast %dot_general3A_98 : vector<1x8xf32> to vector<512x8xf32>
    %add3A_174 = arith.addf %add3A_173, %add3A_172 : vector<512x8xf32>
    %mul3A_175 = arith.mulf %add3A_174, %slice3A_168 : vector<512x8xf32>
    %reduce_sum3A_176 = arith.constant dense<0.000000e+00> : vector<512xf32>
    %reduce_sum3A_177 = vector.multi_reduction <add>, %mul3A_175, %reduce_sum3A_176 [1] : vector<512x8xf32> to vector<512xf32>
    %broadcast_in_dim3A_178 = vector.shape_cast %reduce_sum3A_177 : vector<512xf32> to vector<512x1xf32>
    %convert_element_type3A_179 = arith.fptosi %broadcast_in_dim3A_178 : vector<512x1xf32> to vector<512x1xi32>
    %swap3A_180 = arith.constant 512 : index
    %swap3A_181 = arith.constant 0 : index
    %swap3A_182 = vector.load %arg3[%swap3A_180, %swap3A_181] : memref<4096x1xi32, #tpu.memory_space<vmem>>, vector<512x1xi32>
    tpu.vector_store %arg3[%swap3A_180, %swap3A_181], %convert_element_type3A_179 {strides = array<i32>} : memref<4096x1xi32, #tpu.memory_space<vmem>>, vector<512x1xi32>,
    %reduce_sum3A_183 = arith.constant dense<0.000000e+00> : vector<8xf32>
    %reduce_sum3A_184 = vector.multi_reduction <add>, %slice3A_168, %reduce_sum3A_183 [0] : vector<512x8xf32> to vector<8xf32>
    %broadcast_in_dim3A_185 = vector.shape_cast %reduce_sum3A_184 : vector<8xf32> to vector<1x8xf32>
    %add3A_186 = arith.addf %add3A_167, %broadcast_in_dim3A_185 : vector<1x8xf32>
    %slice3A_187 = vector.extract_strided_slice %convert_element_type3A_45 {offsets = [1024, 0], sizes = [512, 8], strides = [1, 1]} : vector<2048x8xf32> to vector<512x8xf32>
    %dot_general3A_188 = arith.constant dense<0.000000e+00> : vector<512x8xf32>
    %dot_general3A_189 = tpu.matmul %convert_element_type3A_147, %slice3A_187, %dot_general3A_188 {dimension_numbers = #tpu.dot_dimension_numbers<[1], [0], [0], [1], [0, 0, 1, 1], [], []>, transpose_lhs_hint = false} : vector<512x512xf32>, vector<512x8xf32>, vector<512x8xf32> -> vector<512x8xf32>
    %add3A_190 = vector.broadcast %add3A_186 : vector<1x8xf32> to vector<512x8xf32>
    %add3A_191 = arith.addf %dot_general3A_189, %add3A_190 : vector<512x8xf32>
    %add3A_192 = vector.broadcast %dot_general3A_98 : vector<1x8xf32> to vector<512x8xf32>
    %add3A_193 = arith.addf %add3A_192, %add3A_191 : vector<512x8xf32>
    %mul3A_194 = arith.mulf %add3A_193, %slice3A_187 : vector<512x8xf32>
    %reduce_sum3A_195 = arith.constant dense<0.000000e+00> : vector<512xf32>
    %reduce_sum3A_196 = vector.multi_reduction <add>, %mul3A_194, %reduce_sum3A_195 [1] : vector<512x8xf32> to vector<512xf32>
    %broadcast_in_dim3A_197 = vector.shape_cast %reduce_sum3A_196 : vector<512xf32> to vector<512x1xf32>
    %convert_element_type3A_198 = arith.fptosi %broadcast_in_dim3A_197 : vector<512x1xf32> to vector<512x1xi32>
    %swap3A_199 = arith.constant 1024 : index
    %swap3A_200 = arith.constant 0 : index
    %swap3A_201 = vector.load %arg3[%swap3A_199, %swap3A_200] : memref<4096x1xi32, #tpu.memory_space<vmem>>, vector<512x1xi32>
    tpu.vector_store %arg3[%swap3A_199, %swap3A_200], %convert_element_type3A_198 {strides = array<i32>} : memref<4096x1xi32, #tpu.memory_space<vmem>>, vector<512x1xi32>,
    %reduce_sum3A_202 = arith.constant dense<0.000000e+00> : vector<8xf32>
    %reduce_sum3A_203 = vector.multi_reduction <add>, %slice3A_187, %reduce_sum3A_202 [0] : vector<512x8xf32> to vector<8xf32>
    %broadcast_in_dim3A_204 = vector.shape_cast %reduce_sum3A_203 : vector<8xf32> to vector<1x8xf32>
    %add3A_205 = arith.addf %add3A_186, %broadcast_in_dim3A_204 : vector<1x8xf32>
    %slice3A_206 = vector.extract_strided_slice %convert_element_type3A_45 {offsets = [1536, 0], sizes = [512, 8], strides = [1, 1]} : vector<2048x8xf32> to vector<512x8xf32>
    %dot_general3A_207 = arith.constant dense<0.000000e+00> : vector<512x8xf32>
    %dot_general3A_208 = tpu.matmul %convert_element_type3A_147, %slice3A_206, %dot_general3A_207 {dimension_numbers = #tpu.dot_dimension_numbers<[1], [0], [0], [1], [0, 0, 1, 1], [], []>, transpose_lhs_hint = false} : vector<512x512xf32>, vector<512x8xf32>, vector<512x8xf32> -> vector<512x8xf32>
    %add3A_209 = vector.broadcast %add3A_205 : vector<1x8xf32> to vector<512x8xf32>
    %add3A_210 = arith.addf %dot_general3A_208, %add3A_209 : vector<512x8xf32>
    %add3A_211 = vector.broadcast %dot_general3A_98 : vector<1x8xf32> to vector<512x8xf32>
    %add3A_212 = arith.addf %add3A_211, %add3A_210 : vector<512x8xf32>
    %mul3A_213 = arith.mulf %add3A_212, %slice3A_206 : vector<512x8xf32>
    %reduce_sum3A_214 = arith.constant dense<0.000000e+00> : vector<512xf32>
    %reduce_sum3A_215 = vector.multi_reduction <add>, %mul3A_213, %reduce_sum3A_214 [1] : vector<512x8xf32> to vector<512xf32>
    %broadcast_in_dim3A_216 = vector.shape_cast %reduce_sum3A_215 : vector<512xf32> to vector<512x1xf32>
    %convert_element_type3A_217 = arith.fptosi %broadcast_in_dim3A_216 : vector<512x1xf32> to vector<512x1xi32>
    %swap3A_218 = arith.constant 1536 : index
    %swap3A_219 = arith.constant 0 : index
    %swap3A_220 = vector.load %arg3[%swap3A_218, %swap3A_219] : memref<4096x1xi32, #tpu.memory_space<vmem>>, vector<512x1xi32>
    tpu.vector_store %arg3[%swap3A_218, %swap3A_219], %convert_element_type3A_217 {strides = array<i32>} : memref<4096x1xi32, #tpu.memory_space<vmem>>, vector<512x1xi32>,
    %reduce_sum3A_221 = arith.constant dense<0.000000e+00> : vector<8xf32>
    %reduce_sum3A_222 = vector.multi_reduction <add>, %slice3A_206, %reduce_sum3A_221 [0] : vector<512x8xf32> to vector<8xf32>
    %broadcast_in_dim3A_223 = vector.shape_cast %reduce_sum3A_222 : vector<8xf32> to vector<1x8xf32>
    %add3A_224 = arith.addf %add3A_205, %broadcast_in_dim3A_223 : vector<1x8xf32>
    %slice3A_225 = vector.extract_strided_slice %convert_element_type3A_47 {offsets = [0, 0], sizes = [512, 8], strides = [1, 1]} : vector<2048x8xf32> to vector<512x8xf32>
    %dot_general3A_226 = arith.constant dense<0.000000e+00> : vector<512x8xf32>
    %dot_general3A_227 = tpu.matmul %convert_element_type3A_147, %slice3A_225, %dot_general3A_226 {dimension_numbers = #tpu.dot_dimension_numbers<[1], [0], [0], [1], [0, 0, 1, 1], [], []>, transpose_lhs_hint = false} : vector<512x512xf32>, vector<512x8xf32>, vector<512x8xf32> -> vector<512x8xf32>
    %add3A_228 = vector.broadcast %add3A_224 : vector<1x8xf32> to vector<512x8xf32>
    %add3A_229 = arith.addf %dot_general3A_227, %add3A_228 : vector<512x8xf32>
    %add3A_230 = vector.broadcast %dot_general3A_98 : vector<1x8xf32> to vector<512x8xf32>
    %add3A_231 = arith.addf %add3A_230, %add3A_229 : vector<512x8xf32>
    %mul3A_232 = arith.mulf %add3A_231, %slice3A_225 : vector<512x8xf32>
    %reduce_sum3A_233 = arith.constant dense<0.000000e+00> : vector<512xf32>
    %reduce_sum3A_234 = vector.multi_reduction <add>, %mul3A_232, %reduce_sum3A_233 [1] : vector<512x8xf32> to vector<512xf32>
    %broadcast_in_dim3A_235 = vector.shape_cast %reduce_sum3A_234 : vector<512xf32> to vector<512x1xf32>
    %convert_element_type3A_236 = arith.fptosi %broadcast_in_dim3A_235 : vector<512x1xf32> to vector<512x1xi32>
    %swap3A_237 = arith.constant 2048 : index
    %swap3A_238 = arith.constant 0 : index
    %swap3A_239 = vector.load %arg3[%swap3A_237, %swap3A_238] : memref<4096x1xi32, #tpu.memory_space<vmem>>, vector<512x1xi32>
    tpu.vector_store %arg3[%swap3A_237, %swap3A_238], %convert_element_type3A_236 {strides = array<i32>} : memref<4096x1xi32, #tpu.memory_space<vmem>>, vector<512x1xi32>,
    %reduce_sum3A_240 = arith.constant dense<0.000000e+00> : vector<8xf32>
    %reduce_sum3A_241 = vector.multi_reduction <add>, %slice3A_225, %reduce_sum3A_240 [0] : vector<512x8xf32> to vector<8xf32>
    %broadcast_in_dim3A_242 = vector.shape_cast %reduce_sum3A_241 : vector<8xf32> to vector<1x8xf32>
    %add3A_243 = arith.addf %add3A_224, %broadcast_in_dim3A_242 : vector<1x8xf32>
    %slice3A_244 = vector.extract_strided_slice %convert_element_type3A_47 {offsets = [512, 0], sizes = [512, 8], strides = [1, 1]} : vector<2048x8xf32> to vector<512x8xf32>
    %dot_general3A_245 = arith.constant dense<0.000000e+00> : vector<512x8xf32>
    %dot_general3A_246 = tpu.matmul %convert_element_type3A_147, %slice3A_244, %dot_general3A_245 {dimension_numbers = #tpu.dot_dimension_numbers<[1], [0], [0], [1], [0, 0, 1, 1], [], []>, transpose_lhs_hint = false} : vector<512x512xf32>, vector<512x8xf32>, vector<512x8xf32> -> vector<512x8xf32>
    %add3A_247 = vector.broadcast %add3A_243 : vector<1x8xf32> to vector<512x8xf32>
    %add3A_248 = arith.addf %dot_general3A_246, %add3A_247 : vector<512x8xf32>
    %add3A_249 = vector.broadcast %dot_general3A_98 : vector<1x8xf32> to vector<512x8xf32>
    %add3A_250 = arith.addf %add3A_249, %add3A_248 : vector<512x8xf32>
    %mul3A_251 = arith.mulf %add3A_250, %slice3A_244 : vector<512x8xf32>
    %reduce_sum3A_252 = arith.constant dense<0.000000e+00> : vector<512xf32>
    %reduce_sum3A_253 = vector.multi_reduction <add>, %mul3A_251, %reduce_sum3A_252 [1] : vector<512x8xf32> to vector<512xf32>
    %broadcast_in_dim3A_254 = vector.shape_cast %reduce_sum3A_253 : vector<512xf32> to vector<512x1xf32>
    %convert_element_type3A_255 = arith.fptosi %broadcast_in_dim3A_254 : vector<512x1xf32> to vector<512x1xi32>
    %swap3A_256 = arith.constant 2560 : index
    %swap3A_257 = arith.constant 0 : index
    %swap3A_258 = vector.load %arg3[%swap3A_256, %swap3A_257] : memref<4096x1xi32, #tpu.memory_space<vmem>>, vector<512x1xi32>
    tpu.vector_store %arg3[%swap3A_256, %swap3A_257], %convert_element_type3A_255 {strides = array<i32>} : memref<4096x1xi32, #tpu.memory_space<vmem>>, vector<512x1xi32>,
    %reduce_sum3A_259 = arith.constant dense<0.000000e+00> : vector<8xf32>
    %reduce_sum3A_260 = vector.multi_reduction <add>, %slice3A_244, %reduce_sum3A_259 [0] : vector<512x8xf32> to vector<8xf32>
    %broadcast_in_dim3A_261 = vector.shape_cast %reduce_sum3A_260 : vector<8xf32> to vector<1x8xf32>
    %add3A_262 = arith.addf %add3A_243, %broadcast_in_dim3A_261 : vector<1x8xf32>
    %slice3A_263 = vector.extract_strided_slice %convert_element_type3A_47 {offsets = [1024, 0], sizes = [512, 8], strides = [1, 1]} : vector<2048x8xf32> to vector<512x8xf32>
    %dot_general3A_264 = arith.constant dense<0.000000e+00> : vector<512x8xf32>
    %dot_general3A_265 = tpu.matmul %convert_element_type3A_147, %slice3A_263, %dot_general3A_264 {dimension_numbers = #tpu.dot_dimension_numbers<[1], [0], [0], [1], [0, 0, 1, 1], [], []>, transpose_lhs_hint = false} : vector<512x512xf32>, vector<512x8xf32>, vector<512x8xf32> -> vector<512x8xf32>
    %add3A_266 = vector.broadcast %add3A_262 : vector<1x8xf32> to vector<512x8xf32>
    %add3A_267 = arith.addf %dot_general3A_265, %add3A_266 : vector<512x8xf32>
    %add3A_268 = vector.broadcast %dot_general3A_98 : vector<1x8xf32> to vector<512x8xf32>
    %add3A_269 = arith.addf %add3A_268, %add3A_267 : vector<512x8xf32>
    %mul3A_270 = arith.mulf %add3A_269, %slice3A_263 : vector<512x8xf32>
    %reduce_sum3A_271 = arith.constant dense<0.000000e+00> : vector<512xf32>
    %reduce_sum3A_272 = vector.multi_reduction <add>, %mul3A_270, %reduce_sum3A_271 [1] : vector<512x8xf32> to vector<512xf32>
    %broadcast_in_dim3A_273 = vector.shape_cast %reduce_sum3A_272 : vector<512xf32> to vector<512x1xf32>
    %convert_element_type3A_274 = arith.fptosi %broadcast_in_dim3A_273 : vector<512x1xf32> to vector<512x1xi32>
    %swap3A_275 = arith.constant 3072 : index
    %swap3A_276 = arith.constant 0 : index
    %swap3A_277 = vector.load %arg3[%swap3A_275, %swap3A_276] : memref<4096x1xi32, #tpu.memory_space<vmem>>, vector<512x1xi32>
    tpu.vector_store %arg3[%swap3A_275, %swap3A_276], %convert_element_type3A_274 {strides = array<i32>} : memref<4096x1xi32, #tpu.memory_space<vmem>>, vector<512x1xi32>,
    %reduce_sum3A_278 = arith.constant dense<0.000000e+00> : vector<8xf32>
    %reduce_sum3A_279 = vector.multi_reduction <add>, %slice3A_263, %reduce_sum3A_278 [0] : vector<512x8xf32> to vector<8xf32>
    %broadcast_in_dim3A_280 = vector.shape_cast %reduce_sum3A_279 : vector<8xf32> to vector<1x8xf32>
    %add3A_281 = arith.addf %add3A_262, %broadcast_in_dim3A_280 : vector<1x8xf32>
    %slice3A_282 = vector.extract_strided_slice %convert_element_type3A_47 {offsets = [1536, 0], sizes = [512, 8], strides = [1, 1]} : vector<2048x8xf32> to vector<512x8xf32>
    %dot_general3A_283 = arith.constant dense<0.000000e+00> : vector<512x8xf32>
    %dot_general3A_284 = tpu.matmul %convert_element_type3A_147, %slice3A_282, %dot_general3A_283 {dimension_numbers = #tpu.dot_dimension_numbers<[1], [0], [0], [1], [0, 0, 1, 1], [], []>, transpose_lhs_hint = false} : vector<512x512xf32>, vector<512x8xf32>, vector<512x8xf32> -> vector<512x8xf32>
    %add3A_285 = vector.broadcast %add3A_281 : vector<1x8xf32> to vector<512x8xf32>
    %add3A_286 = arith.addf %dot_general3A_284, %add3A_285 : vector<512x8xf32>
    %add3A_287 = vector.broadcast %dot_general3A_98 : vector<1x8xf32> to vector<512x8xf32>
    %add3A_288 = arith.addf %add3A_287, %add3A_286 : vector<512x8xf32>
    %mul3A_289 = arith.mulf %add3A_288, %slice3A_282 : vector<512x8xf32>
    %reduce_sum3A_290 = arith.constant dense<0.000000e+00> : vector<512xf32>
    %reduce_sum3A_291 = vector.multi_reduction <add>, %mul3A_289, %reduce_sum3A_290 [1] : vector<512x8xf32> to vector<512xf32>
    %broadcast_in_dim3A_292 = vector.shape_cast %reduce_sum3A_291 : vector<512xf32> to vector<512x1xf32>
    %convert_element_type3A_293 = arith.fptosi %broadcast_in_dim3A_292 : vector<512x1xf32> to vector<512x1xi32>
    %swap3A_294 = arith.constant 3584 : index
    %swap3A_295 = arith.constant 0 : index
    %swap3A_296 = vector.load %arg3[%swap3A_294, %swap3A_295] : memref<4096x1xi32, #tpu.memory_space<vmem>>, vector<512x1xi32>
    tpu.vector_store %arg3[%swap3A_294, %swap3A_295], %convert_element_type3A_293 {strides = array<i32>} : memref<4096x1xi32, #tpu.memory_space<vmem>>, vector<512x1xi32>,
    return
  }
}

</mosaic_0001>

<sc_bundles>
// kernel: kernel.5.cloned.1.call-start
scs
__scs_entry_jumppad:
0x0: {  	(pc) =	sbr.rel $0x88, $3  }
0x1: {  	(tag) =	ssettag $0x0;
	lr =	simm.s32 $0x1  }
0x2: {  	[smem:$0x3F9A] =	sst lr;
	_ =	strace $0xD0000000  }
0x3: {  	_ = 	snop  }
0x4: {  	_ = 	snop  }
0x5: {  	_ = 	snop  }
0x6: {  	_ = 	snop  }
0x7: {  	_ = 	snop  }
__scs_overlays_trampoline_lowered:
0x8: {  	[smem:$0x3FA9] =	sst s0  }
0x9: {  	[smem:$0x3FAA] =	sst s1  }
0xa: {  	[smem:$0x3FAB] =	sst s2  }
0xb: {  	[smem:$0x3FAC] =	sst s3  }
0xc: {  	[smem:$0x3FAD] =	sst s4  }
0xd: {  	[smem:$0x3FAE] =	sst s5  }
0xe: {  	[smem:$0x3FAF] =	sst s6  }
0xf: {  	[smem:$0x3FB0] =	sst s7  }
0x10: {  	[smem:$0x3FB1] =	sst s8  }
0x11: {  	[smem:$0x3FB2] =	sst s9;
	s0 =	simm.s32 @!p0 $0x0  }
0x12: {  	s1 =	sld [smem:$0x3F98];
	s0 =	simm.s32 @p0 $0x1  }
0x13: {  	[smem:$0x3FB3] =	sst s0;
	s0 =	simm.s32 @!p1 $0x0  }
0x14: {  	s2 =	sld [smem:$0x3F97];
	s0 =	simm.s32 @p1 $0x1  }
0x15: {  	[smem:$0x3FB4] =	sst s0;
	s0 =	simm.s32 @!p2 $0x0  }
0x16: {  	s3 =	sld [smem:$0x3FDB];
	s0 =	simm.s32 @p2 $0x1  }
0x17: {  	s4 =	simm.s32 $0x1BF5;
	[smem:$0x3FB6] =	sst s0  }
0x18: {  	s0 =	sld [smem:$0x3F99];
	_ =	swait.ge [sflag:s4], $0x0  }
0x19: {  	s7 =	sld [smem:$0x3F9A]  }
0x1a: {  	s8 =	sadd.s32 $0xFFFFE003, lr  }
0x1b: {  	s9 =	sadd.s32 $0xFFFFFEF7, lr;
	s5 =	simm.s32 $0xFFFFFFFF;
	p2 =	slt.u32 s8, $0xFFFFF086  }
0x1c: {  	p1 =	slt.u32 s9, $0xF7A;
	s5 =	simm.s32 @!p2 $0x0  }
0x1d: {  	s5 =	simm.s32 @p1 $0x1;
	p0 =	seq.s32 s7, s2  }
0x1e: {  	s7 =	smul.u32 @!p0 $0xF7A, s2;
	p2 =	seq.s32 @!p0 s5, $0x0  }
0x1f: {  	s9 =	smul.u32 $0xF7A, s1;
	s8 =	simm.s32 @!p0 $0x1BF5;
	p2 =	por !p2, p0  }
0x20: {  	[sflag:s8] =	ssyncset.s32 @!p0 $0xFFFFF086;
	s6 =	sadd.s32 @!p0 s3, s7;
	s7 =	simm.s32 @!p0 $0x108  }
0x21: {  	s3 =	sadd.s32 s3, s9;
	s6 =	sadd.s32 @!p0 $0x88, s6;
	s7 =	simm.s32 @p2 $0x1082  }
0x22: {  	[simem:s7], [sflag:s8] =	dma.local @!p0 [hbm:s6], $0xF7A  }
0x23: {  	s9 =	sor.u32 $0xD0000000, s2;
	s6 =	simm.s32 $0x108;
	_ =	swait.ge @!p0 [sflag:s8], $0x0  }
0x24: {  	s3 =	sadd.s32 $0x88, s3;
	s6 =	simm.s32 @!p1 $0x1082;
	[sflag:s4] =	ssyncset.s32 $0xFFFFF086  }
0x25: {  	[simem:s6], [sflag:s4] =	dma.local [hbm:s3], $0xF7A  }
0x26: {  	[smem:$0x3F9A] =	sst s1;
	(tag) =	ssettag s2;
	_ =	strace s9  }
0x27: {  	s1 =	sld [smem:$0x3FAA]  }
0x28: {  	s2 =	sld [smem:$0x3FAB]  }
0x29: {  	s4 =	sld [smem:$0x3FAD]  }
0x2a: {  	p0 =	seq.s32 s5, $0x0;
	s5 =	sld [smem:$0x3FAE]  }
0x2b: {  	s6 =	sld [smem:$0x3FAF]  }
0x2c: {  	s7 =	sld [smem:$0x3FB0]  }
0x2d: {  	s3 =	simm.s32 $0x108;
	s8 =	sld [smem:$0x3FB1]  }
0x2e: {  	s3 =	simm.s32 @!p0 $0x1082;
	s9 =	sld [smem:$0x3FB2]  }
0x2f: {  	lr =	sadd.s32 s0, s3;
	s0 =	sld [smem:$0x3FA9]  }
0x30: {  	s3 =	sld [smem:$0x3FAC]  }
0x31: {  	[smem:$0x3FB5] =	sst s10  }
0x32: {  	s10 =	sld [smem:$0x3FB3];
	_ =	sdelay $0x3  }
0x33: {  	p0 =	seq.s32 s10, $0x1;
	s10 =	sld [smem:$0x3FB5];
	_ =	sdelay $0x3  }
0x34: {  	[smem:$0x3FB5] =	sst s10  }
0x35: {  	s10 =	sld [smem:$0x3FB4];
	_ =	sdelay $0x3  }
0x36: {  	p1 =	seq.s32 s10, $0x1;
	s10 =	sld [smem:$0x3FB5];
	_ =	sdelay $0x3  }
0x37: {  	[smem:$0x3FB5] =	sst s10  }
0x38: {  	s10 =	sld [smem:$0x3FB6]  }
0x39: {  	_ = 	snop;
	(pc) =	sbr.ind lr, $3  }
0x3a: {  	_ = 	snop  }
0x3b: {  	_ = 	snop  }
0x3c: {  	p2 =	seq.s32 s10, $0x1;
	s10 =	sld [smem:$0x3FB5]  }
0x3d: {  	_ =	shalt  }
0x3e: {  	_ =	shalt  }
0x3f: {  	_ =	shalt  }
0x40: {  	_ =	shalt  }
0x41: {  	_ =	shalt  }
0x42: {  	_ =	shalt  }
0x43: {  	_ =	shalt  }
0x44: {  	_ =	shalt  }
0x45: {  	_ =	shalt  }
0x46: {  	_ =	shalt  }
0x47: {  	_ =	shalt  }
0x48: {  	_ =	shalt  }
0x49: {  	_ =	shalt  }
0x4a: {  	_ =	shalt  }
0x4b: {  	_ =	shalt  }
0x4c: {  	_ =	shalt  }
0x4d: {  	_ =	shalt  }
0x4e: {  	_ =	shalt  }
0x4f: {  	_ =	shalt  }
0x50: {  	_ =	shalt  }
0x51: {  	_ =	shalt  }
0x52: {  	_ =	shalt  }
0x53: {  	_ =	shalt  }
0x54: {  	_ =	shalt  }
0x55: {  	_ =	shalt  }
0x56: {  	_ =	shalt  }
0x57: {  	_ =	shalt  }
0x58: {  	_ =	shalt  }
0x59: {  	_ =	shalt  }
0x5a: {  	_ =	shalt  }
0x5b: {  	_ =	shalt  }
0x5c: {  	_ =	shalt  }
0x5d: {  	_ =	shalt  }
0x5e: {  	_ =	shalt  }
0x5f: {  	_ =	shalt  }
0x60: {  	_ =	shalt  }
0x61: {  	_ =	shalt  }
0x62: {  	_ =	shalt  }
0x63: {  	_ =	shalt  }
0x64: {  	_ =	shalt  }
0x65: {  	_ =	shalt  }
0x66: {  	_ =	shalt  }
0x67: {  	_ =	shalt  }
0x68: {  	_ =	shalt  }
0x69: {  	_ =	shalt  }
0x6a: {  	_ =	shalt  }
0x6b: {  	_ =	shalt  }
0x6c: {  	_ =	shalt  }
0x6d: {  	_ =	shalt  }
0x6e: {  	_ =	shalt  }
0x6f: {  	_ =	shalt  }
0x70: {  	_ =	shalt  }
0x71: {  	_ =	shalt  }
0x72: {  	_ =	shalt  }
0x73: {  	_ =	shalt  }
0x74: {  	_ =	shalt  }
0x75: {  	_ =	shalt  }
0x76: {  	_ =	shalt  }
0x77: {  	_ =	shalt  }
0x78: {  	_ =	shalt  }
0x79: {  	_ =	shalt  }
0x7a: {  	_ =	shalt  }
0x7b: {  	_ =	shalt  }
0x7c: {  	_ =	shalt  }
0x7d: {  	_ =	shalt  }
0x7e: {  	_ =	shalt  }
0x7f: {  	_ =	shalt  }
0x80: {  	_ =	shalt  }
0x81: {  	_ =	shalt  }
0x82: {  	_ =	shalt  }
0x83: {  	_ =	shalt  }
0x84: {  	_ =	shalt  }
0x85: {  	_ =	shalt  }
0x86: {  	_ =	shalt  }
0x87: {  	_ =	shalt  }
.Lfunc_end0:
.L_simem_size_0:
called_computation_lowered:
.L_overlay_start_0:
0x88: {  	s0 =	sld [smem:$0x3FD9]  }
0x89: {  	s1 =	sld [smem:$0x3FFE];
	_ =	sdelay $0x3  }
0x8a: {  	s0 =	sadd.s32 s1, s0  }
0x8b: {  	[smem:$0x3FC1] =	sst s0  }
0x8c: {  	_ = 	snop  }
0x8d: {  	s0 =	sld [smem:$0x3FD0];
	_ =	sdelay $0x2  }
0x8e: {  	s13 =	simm.s32 $0xA;
	s2 =	simm.s32 $0x10  }
0x8f: {  	[smem:s2], [sflag:s13] =	dma.local [hbm:s0], $0x1  }
0x90: {  	_ =	swait.eq [sflag:s13], $0x1  }
0x91: {  	[sflag:s13] =	ssyncset.done $0x0  }
0x92: {  	[sflag:s13] =	ssyncadd.s32 $0xFFFFFFFF  }
0x93: {  	s14 =	sld [smem:$0x10];
	(tm) =	ssettm $0x1  }
0x94: {  	s15 =	sld [smem:$0x3FFB];
	_ =	sdelay $0x3  }
0x95: {  	_ =	strace s15  }
0x96: {  	s1 =	sld [smem:$0x3FFC];
	_ =	sdelay $0x3  }
0x97: {  	_ =	strace s1  }
0x98: {  	s1 =	sld [smem:$0x3FFD];
	_ =	sdelay $0x3  }
0x99: {  	_ =	strace s1  }
0x9a: {  	_ =	strace $0x8FFFFFFF  }
0x9b: {  	s16 =	sld [smem:$0x3FDB];
	_ =	sdelay $0x1  }
0x9c: {  	s17 =	simm.s32 $_scs_section_size  }
0x9d: {  	s3 =	simm.s32 $_size__tile_overlayer_lowered;
	s4 =	simm.s32 $_tile_overlayer_lowered  }
0x9e: {  	s20 =	simm.s32 $0x1BFF;
	s19 =	sshll.u32 s4, $0x1;
	s1 =	sadd.s32 s17, s16  }
0x9f: {  	s5 =	simm.s32 $0x0;
	s18 =	sshll.u32 s3, $0x1;
	s3 =	sadd.s32 s19, s1  }
0xa0: {  	[timem:s5], [sflag:s20] =	dma.local [hbm:s3], s18  }
0xa1: {  	_ =	swait.ge [sflag:s20], s18  }
0xa2: {  	s2 =	ssub.s32 $0x0, s18;
	[sflag:s20] =	ssyncset.done $0x0  }
0xa3: {  	[sflag:s20] =	ssyncadd.s32 s2;
	_ =	sdelay $0x1  }
0xa4: {  	s21 =	simm.s32 $0x1B8B  }
0xa5: {  	_ =	swait.ge [sflag:s21], $0x1  }
0xa6: {  	[sflag:s21] =	ssyncset.done $0x0  }
0xa7: {  	s23 =	simm.s32 $0x1B8E;
	s22 =	sld [smem:$0x3FFE];
	[sflag:s21] =	ssyncadd.s32 $0xFFFFFFFF  }
0xa8: {  	s24 =	simm.s32 $execute0_lowered;
	[smem:$0x3FD2] =	sst s23  }
0xa9: {  	s3 =	sshll.u32 s24, $0x1;
	_ =	strace $0x80000046;
	[dreg:$0x1] =	wrdreg $0xFFFFFFFF  }
0xaa: {  	s25 =	simm.s32 $_size_execute0_lowered;
	s1 =	sadd.s32 s1, s3;
	[dreg:$0x0] =	wrdreg $0x0  }
0xab: {  	s3 =	sshll.u32 s25, $0x1;
	[dreg:$0x2] =	wrdreg s1  }
0xac: {  	[dreg:$0x3] =	wrdreg s3  }
0xad: {  	[dreg:$0x4] =	wrdreg $0xC0  }
0xae: {  	_ =	task [dreg:s5], $0x5FFFF  }
0xaf: {  	[dreg:$0x1] =	wrdreg $0xFFFFFFFF  }
0xb0: {  	[dreg:$0x0] =	wrdreg $0x60  }
0xb1: {  	[dreg:$0x2] =	wrdreg s14  }
0xb2: {  	[dreg:$0x3] =	wrdreg s22  }
0xb3: {  	[dreg:$0x4] =	wrdreg $0x9  }
0xb4: {  	_ =	task.clear_ibuf [dreg:s5], $0x5FFFF;
	_ =	strace $0x90000046  }
0xb5: {  	s26 =	simm.s32 $0x9;
	_ =	strace $0x80000048  }
0xb6: {  	_ =	swait.ge [sflag:s26], $0x1  }
0xb7: {  	[sflag:s26] =	ssyncadd.s32 $0xFFFFFFFF  }
0xb8: {  	_ =	strace $0x90000048  }
0xb9: {  	_ =	sfence  }
0xba: {  	s28 =	sld [smem:$0x0];
	_ =	sdelay $0x1  }
0xbb: {  	s29 =	srdreg.scid  }
0xbc: {  	s30 =	sshll.u32 s29, $0xD;
	s31 =	sshrl.u32 s29, $0x2  }
0xbd: {  	s2 =	sand.u32 $0x4000, s30;
	s1 =	sand.u32 $0x1, s29;
	s0 =	sadd.s32 s31, s28  }
0xbe: {  	s1 =	sor.u32 s2, s1;
	s0 =	sshll.u32 s0, $0x11  }
0xbf: {  	s0 =	sor.u32 s0, s1  }
0xc0: {  	s0 =	sadd.s32 $0x8F2B, s0  }
0xc1: {  	[sflag:s0] =	ssyncadd.remote.s32 $0x1  }
0xc2: {  	_ =	sfence.sel $0xFFFF  }
0xc3: {  	[dreg:$0x0] =	wrdreg $0xFFFFFFFF;
	(pc) =	sbr.abs _section_cstart, $3  }
0xc4: {  	[dreg:$0x1] =	wrdreg $0xFFFFFFFF  }
0xc5: {  	_ =	task.clear_ibuf [dreg:s5], $0x2FFFF;
	_ =	strace $0x9FFFFFFF  }
0xc6: {  	(tm) =	ssettm $0x7FFFFFFF  }
0xc7: {  	_ =	shalt  }
tec
execute0_lowered:
.L_overlay_start_1:
0x0: {  	(tag) =	ssettag $0x1  }
0x1: {  	s1 =	rddreg [dreg:$0x0]  }
0x2: {  	s2 =	rddreg [dreg:$0x1];
	s3 =	simm.s32 $0x0  }
0x3: {  	v0 =	vimm.s32 $0x0;
	[smem:$0x7FF] =	sst s3  }
0x4: {  	s0 =	rddreg [dreg:$0x2];
	v1 =	vimm.f32 $0.0e+00;
	_ =	strace $0x80000047;
	[tilespmem:$0x2000] =	vst v0  }
0x5: {  	[tilespmem:$0x2180] =	vst v1  }
0x6: {  	[tilespmem:$0x2010] =	vst v0  }
0x7: {  	[tilespmem:$0x2190] =	vst v1  }
0x8: {  	[tilespmem:$0x2020] =	vst v0  }
0x9: {  	[tilespmem:$0x21A0] =	vst v1  }
0xa: {  	[tilespmem:$0x2030] =	vst v0  }
0xb: {  	[tilespmem:$0x21B0] =	vst v1  }
0xc: {  	[tilespmem:$0x2040] =	vst v0  }
0xd: {  	[tilespmem:$0x21C0] =	vst v1  }
0xe: {  	[tilespmem:$0x2050] =	vst v0  }
0xf: {  	[tilespmem:$0x21D0] =	vst v1  }
0x10: {  	[tilespmem:$0x2060] =	vst v0  }
0x11: {  	[tilespmem:$0x21E0] =	vst v1  }
0x12: {  	[tilespmem:$0x2070] =	vst v0  }
0x13: {  	[tilespmem:$0x21F0] =	vst v1  }
0x14: {  	[tilespmem:$0x2080] =	vst v0  }
0x15: {  	[tilespmem:$0x2200] =	vst v1  }
0x16: {  	[tilespmem:$0x2090] =	vst v0  }
0x17: {  	[tilespmem:$0x2210] =	vst v1  }
0x18: {  	[tilespmem:$0x20A0] =	vst v0  }
0x19: {  	[tilespmem:$0x2220] =	vst v1  }
0x1a: {  	[tilespmem:$0x20B0] =	vst v0  }
0x1b: {  	[tilespmem:$0x2230] =	vst v1  }
0x1c: {  	[tilespmem:$0x20C0] =	vst v0  }
0x1d: {  	[tilespmem:$0x2240] =	vst v1  }
0x1e: {  	[tilespmem:$0x20D0] =	vst v0  }
0x1f: {  	[tilespmem:$0x2250] =	vst v1  }
0x20: {  	[tilespmem:$0x20E0] =	vst v0  }
0x21: {  	[tilespmem:$0x2260] =	vst v1  }
0x22: {  	[tilespmem:$0x20F0] =	vst v0  }
0x23: {  	[tilespmem:$0x2270] =	vst v1  }
0x24: {  	[tilespmem:$0x2100] =	vst v0  }
0x25: {  	[tilespmem:$0x2280] =	vst v1  }
0x26: {  	[tilespmem:$0x2110] =	vst v0  }
0x27: {  	[tilespmem:$0x2290] =	vst v1  }
0x28: {  	[tilespmem:$0x2120] =	vst v0  }
0x29: {  	[tilespmem:$0x22A0] =	vst v1  }
0x2a: {  	[tilespmem:$0x2130] =	vst v0  }
0x2b: {  	[tilespmem:$0x22B0] =	vst v1  }
0x2c: {  	[tilespmem:$0x2140] =	vst v0  }
0x2d: {  	[tilespmem:$0x22C0] =	vst v1  }
0x2e: {  	[tilespmem:$0x2150] =	vst v0  }
0x2f: {  	[tilespmem:$0x22D0] =	vst v1  }
0x30: {  	[tilespmem:$0x2160] =	vst v0  }
0x31: {  	[tilespmem:$0x22E0] =	vst v1  }
0x32: {  	[tilespmem:$0x2170] =	vst v0  }
0x33: {  	s31 =	simm.s32 $0x1;
	[tilespmem:$0x22F0] =	vst v1  }
0x34: {  	[tilespmem:s3], [sflag:$0x1] =	stream.linear.gather [hbm4b:s1+s3], $0x1000, $0x38;
	[tilespmem:$0x2300] =	vst v63  }
0x35: {  	_ =	swait.ge [sflag:s31], $0x1000  }
0x36: {  	[sflag:s31] =	ssyncset.done $0x0  }
0x37: {  	s4 =	simm.s32 $0x1000;
	s5 =	sadd.s32 $0x400, s2;
	[sflag:s31] =	ssyncadd.s32 $0xFFFFF000  }
0x38: {  	[tilespmem:s4], [sflag:$0x1] =	stream.linear.gather [hbm4b:s5+s3], $0x1000, $0x38;
	[tilespmem:$0x2300] =	vst v63  }
0x39: {  	_ =	swait.ge [sflag:s31], $0x1000  }
0x3a: {  	[sflag:s31] =	ssyncset.done $0x0  }
0x3b: {  	[sflag:s31] =	ssyncadd.s32 $0xFFFFF000  }
0x3c: {  	s1 =	stileid.u32;
	v2 =	vld [tilespmem:s3+$0x0]  }
0x3d: {  	s5 =	smul.u32 $0x180, s1;
	_ =	sdelay $0x1  }
0x3e: {  	s6 =	sadd.s32 $0x180, s5  }
0x3f: {  	v0 =	vmov s5;
	v1 =	vmov s6  }
0x40: {  	vm0 =	vge.s32 v2, v0;
	vm1 =	vlt.s32 v2, v1;
	v3 =	vsub.s32 v2, v0  }
0x41: {  	v2 =	vand.u32 $0x7F, v2;
	vm0 =	vmand vm0, vm1;
	v3 =	vand.u32 $0xFFFFFF80, v3  }
0x42: {  	v3 =	vor.u32 v2, v3  }
0x43: {  	v4 =	vld [tilespmem:s4+$0x0]  }
0x44: {  	v2 =	vlaneseq.u32  }
0x45: {  	v5 =	vor.u32 s3, v2  }
0x46: {  	s3 =	simm.s32 $0x2000;
	v5 =	vand.u32 $0x7FF, v5  }
0x47: {  	s6 =	simm.s32 $0x2180;
	[tilespmem:v3+s3+$0x0] =	vst.idx.msk vm0, v5  }
0x48: {  	s8 =	simm.s32 $0x10;
	[tilespmem:v3+s6+$0x0] =	vst.idx.msk vm0, v4  }
0x49: {  	s9 =	simm.s32 $0x20;
	v3 =	vld [tilespmem:s8+$0x0]  }
0x4a: {  	s10 =	simm.s32 $0x10;
	s7 =	sadd.s32 $0x600, s2;
	s2 =	sadd.s32 $0xA00, s2  }
.LBB2_1:
0x4b: {  	p0 =	sne.s32 s9, $0xFF0;
	_ =	sdelay $0x2  }
0x4c: {  	vm0 =	vge.s32 v3, v0;
	vm1 =	vlt.s32 v3, v1;
	v4 =	vsub.s32 v3, v0  }
0x4d: {  	v3 =	vand.u32 $0x7F, v3;
	vm0 =	vmand vm0, vm1;
	v4 =	vand.u32 $0xFFFFFF80, v4  }
0x4e: {  	s4 =	sadd.s32 $0x10, s4;
	v3 =	vor.u32 v3, v4  }
0x4f: {  	v4 =	vld [tilespmem:s4+$0x0];
	_ =	sdelay $0x1  }
0x50: {  	v5 =	vor.u32 s8, v2;
	s8 =	smov.u32 s9  }
.Ltmp0:
0x51: {  	v5 =	vand.u32 $0x7FF, v5;
	(pc) =	sbr.rel @p0 .LBB2_1-.Ltmp0, $4  }
0x52: {  	[tilespmem:v3+s3+$0x0] =	vst.idx.msk vm0, v5  }
0x53: {  	s10 =	sadd.s32 $0x10, s10;
	[tilespmem:v3+s6+$0x0] =	vst.idx.msk vm0, v4  }
0x54: {  	v3 =	vld [tilespmem:s10+$0x0]  }
0x55: {  	s9 =	sadd.s32 $0x10, s9  }
0x56: {  	_ =	sdelay $0x2  }
0x57: {  	vm0 =	vge.s32 v3, v0;
	vm1 =	vlt.s32 v3, v1;
	v61 =	vsub.s32 v3, v0  }
0x58: {  	v62 =	vand.u32 $0x7F, v3;
	vm0 =	vmand vm0, vm1;
	v0 =	vand.u32 $0xFFFFFF80, v61  }
0x59: {  	s4 =	sadd.s32 $0x10, s4;
	v0 =	vor.u32 v62, v0  }
0x5a: {  	v63 =	vld [tilespmem:s4+$0x0];
	_ =	sdelay $0x1  }
0x5b: {  	v2 =	vor.u32 s8, v2  }
0x5c: {  	v2 =	vand.u32 $0x7FF, v2  }
0x5d: {  	s25 =	sshrl.u32 s5, $0x3;
	s28 =	simm.s32 $0x0;
	[tilespmem:v0+s3+$0x0] =	vst.idx.msk vm0, v2  }
0x5e: {  	s29 =	simm.s32 $0x2000;
	s30 =	simm.s32 $0x1;
	s26 =	sadd.s32 s7, s25;
	[tilespmem:v0+s6+$0x0] =	vst.idx.msk vm0, v63  }
0x5f: {  	[hbm4b:s26+s28] =	stream.linear.scatter [tilespmem:s29], [sflag:$0x1], $0x180, $0x38;
	[tilespmem:$0x2300] =	vst v63  }
0x60: {  	_ =	swait.ge [sflag:s30], $0x180  }
0x61: {  	[sflag:s30] =	ssyncset.done $0x0  }
0x62: {  	s31 =	simm.s32 $0x2180;
	s2 =	sadd.s32 s2, s25;
	[sflag:s30] =	ssyncadd.s32 $0xFFFFFE80  }
0x63: {  	[hbm4b:s2+s28] =	stream.linear.scatter [tilespmem:s31], [sflag:$0x1], $0x180, $0x38;
	[tilespmem:$0x2300] =	vst v63  }
0x64: {  	_ =	swait.ge [sflag:s30], $0x180  }
0x65: {  	[sflag:s30] =	ssyncset.done $0x0  }
0x66: {  	[sflag:s30] =	ssyncadd.s32 $0xFFFFFE80  }
0x67: {  	_ =	sfence.sel $0x180000  }
0x68: {  	[bflag:$0x0] =	sbarrier.arrive $0xFFFF  }
0x69: {  	p0 =	sne.s32 s1, $0x0;
	_ =	strace $0x90000047  }
0x6a: {  	s0 =	sadd.s32 @!p0 $0x100000, s0;
	[bflag:$0x2] =	sbarrier.arrive $0xFFFF  }
0x6b: {  	[sflag:s0] =	ssyncadd.tile.s32 @!p0 $0x1;
	_ =	shalt  }
.Lfunc_end2:
_tile_overlayer_lowered:
.L_overlay_start_2:
0x6c: {  	(tag) =	ssettag $0x2  }
0x6d: {  	s0 =	rddreg [dreg:$0x0];
	s2 =	stileid.u32  }
0x6e: {  	s1 =	rddreg [dreg:$0x1];
	p0 =	sne.s32 s2, $0x0  }
0x6f: {  	s3 =	rddreg [dreg:$0x2];
	[bflag:$0x3] =	sbarrier.arrive $0xFFFF;
	s2 =	simm.s32 @!p0 $0x1C01  }
0x70: {  	[timem:s3], [sflag:s2] =	dma.local @!p0 [hbm:s0], s1  }
0x71: {  	s0 =	simm.s32 @!p0 $0x1  }
0x72: {  	_ =	swait.ge @!p0 [sflag:s0], s1  }
0x73: {  	s1 =	ssub.s32 @!p0 $0x0, s1;
	[sflag:s0] =	ssyncset.done @!p0 $0x0  }
0x74: {  	[sflag:s0] =	ssyncadd.s32 @!p0 s1  }
0x75: {  	[bflag:$0x3] =	sbarrier.arrive $0xFFFF  }
0x76: {  	_ =	shalt  }

</sc_bundles>
